<compile_context>
chip_gen: v7x
topology: tpu7x:2x2x1
jax: 0.10.2.dev20260603
libtpu: 0.0.44.dev20260713+nightly
codegen_flags: <defaults>
</compile_context>

<pallas_src>
import jax
import jax.numpy as jnp
from jax import lax
from jax.experimental import pallas as pl
from jax.experimental.pallas import tpu as pltpu
from jax.experimental.pallas import tpu_sc as plsc

NC, NS = 2, 16
NW = NC * NS
B, L, DIM = 16384, 50, 32
NUM_ROWS = 1000000
BAGS_W = B // NW
CB = 32
NCH = BAGS_W // CB
NBUF = 2
RPC = CB * L
INV_L = 1.0 / L


def _body(tok_hbm, tab_hbm, out_hbm, *scratch):
    wid = lax.axis_index("s") * NC + lax.axis_index("c")
    idx = scratch[0:NBUF]
    rows = scratch[NBUF:2 * NBUF]
    outs = scratch[2 * NBUF:3 * NBUF]
    sems = scratch[3 * NBUF:4 * NBUF]

    def fire(c, p):
        bag0 = wid * BAGS_W + c * CB
        pltpu.sync_copy(tok_hbm.at[pl.ds(bag0 * L, RPC)], idx[p])
        pltpu.async_copy(tab_hbm.at[idx[p]], rows[p], sems[p])

    def process(c, p):
        pltpu.make_async_copy(tab_hbm.at[idx[p]], rows[p], sems[p]).wait()
        rv = rows[p]
        ov = outs[p]

        def bag(b, carry):
            a0 = rv[b * L, 0:16]
            a1 = rv[b * L, 16:32]
            for r in range(1, L):
                a0 = a0 + rv[b * L + r, 0:16]
                a1 = a1 + rv[b * L + r, 16:32]
            ov[b, 0:16] = a0 * INV_L
            ov[b, 16:32] = a1 * INV_L
            return carry

        lax.fori_loop(0, CB, bag, 0)
        bag0 = wid * BAGS_W + c * CB
        pltpu.sync_copy(ov, out_hbm.at[pl.ds(bag0, CB)])

    for p in range(NBUF):
        fire(p, p)

    def step(s, carry):
        c0 = s * NBUF
        for p in range(NBUF):
            process(c0 + p, p)

            @pl.when(c0 + p + NBUF < NCH)
            def _():
                fire(c0 + p + NBUF, p)

        return carry

    lax.fori_loop(0, NCH // NBUF, step, 0)


TBLK = 65536
TGRID = -(-NUM_ROWS // TBLK)
TROWS = TBLK * DIM // 128


def _transpose_body(x_ref, o_ref):
    x = x_ref[...]
    xx = jnp.concatenate(
        [x[:, TROWS * j:TROWS * (j + 1)] for j in range(4)], axis=0)
    o_ref[...] = jnp.transpose(xx)


def _linearize_table(emb_weight):
    tab_t = emb_weight.T
    out = pl.pallas_call(
        _transpose_body,
        grid=(TGRID,),
        in_specs=[pl.BlockSpec((DIM, TBLK), lambda g: (0, g))],
        out_specs=pl.BlockSpec((TROWS, 128), lambda g: (g, 0)),
        out_shape=jax.ShapeDtypeStruct((TGRID * TROWS, 128), jnp.float32),
    )(tab_t)
    return out.reshape(TGRID * TBLK, DIM)


def _permute_tokens(tok):
    g = tok // TBLK
    w = tok % TBLK
    return (g * TROWS + w % TROWS) * 4 + w // TROWS


def kernel(tokens_idx, emb_weight):
    tok = _permute_tokens(tokens_idx.reshape(-1).astype(jnp.int32))
    tab = _linearize_table(emb_weight)
    mesh = plsc.VectorSubcoreMesh(core_axis_name="c", subcore_axis_name="s")
    f = pl.kernel(
        _body,
        out_type=jax.ShapeDtypeStruct((B, DIM), jnp.float32),
        mesh=mesh,
        compiler_params=pltpu.CompilerParams(use_tc_tiling_on_sc=False),
        scratch_types=(
            [pltpu.VMEM((RPC,), jnp.int32)] * NBUF
            + [pltpu.VMEM((RPC, DIM), jnp.float32)] * NBUF
            + [pltpu.VMEM((CB, DIM), jnp.float32)] * NBUF
            + [pltpu.SemaphoreType.DMA] * NBUF
        ),
    )
    return f(tok, tab)

# --- scband reference (transcript-rebuilt; emitter-appended) ---
"""Pipeline reference for scband-hash-embedding-bag-66331474919971 (READ-ONLY COPY).

The authoritative reference and input builder live on the scoring server;
editing this copy changes nothing except your own understanding.
"""

import jax, jax.numpy as jnp
import numpy as np

NUM_BUCKETS = 1000000
DIM = 32
B = 16384
L = 50

def setup_inputs(seed: int = 0) -> dict:
    key = jax.random.key(seed)
    k_idx, k_emb = jax.random.split(key)
    tokens_idx = jax.random.randint(k_idx, (B, L), 0, NUM_BUCKETS, dtype=jnp.int64 if jax.config.read('jax_enable_x64') else jnp.int32)
    emb_weight = jax.random.normal(k_emb, (NUM_BUCKETS, DIM), dtype=jnp.float32) * 0.01
    return {"tokens_idx": tokens_idx, "emb_weight": emb_weight}

def reference(tokens_idx, emb_weight):
    # hash(t) % num_embeddings is modeled as pre-hashed integer indices.
    # Each bag has L tokens (non-empty), mode='mean' pooling.
    v = jnp.take(emb_weight, tokens_idx, axis=0)  # [B, L, DIM] gather
    out = v.mean(axis=1)                          # [B, DIM] mean pooling
    return out

if __name__ == "__main__":
    import jax
    _d = setup_inputs()
    print(jax.jit(kernel)(*tuple(_d.values())))

</pallas_src>

<mosaic_0001>
#map = affine_map<(d0, d1) -> (0)>
#map1 = affine_map<(d0, d1) -> (0, 0)>
module attributes {stable_mosaic.version = 14 : i64} {
  func.func @_body(%arg0: i32, %arg1: i32, %arg2: memref<819200xi32, #tpu.memory_space<hbm>>, %arg3: memref<1048576x32xf32, #tpu.memory_space<hbm>>, %arg4: memref<16384x32xf32, #tpu.memory_space<hbm>>, %arg5: memref<1600xi32, #tpu.memory_space<vmem>>, %arg6: memref<1600xi32, #tpu.memory_space<vmem>>, %arg7: memref<1600x32xf32, #tpu.memory_space<vmem>>, %arg8: memref<1600x32xf32, #tpu.memory_space<vmem>>, %arg9: memref<32x32xf32, #tpu.memory_space<vmem>>, %arg10: memref<32x32xf32, #tpu.memory_space<vmem>>, %arg11: memref<!tpu.dma_semaphore, #tpu.memory_space<semaphore_mem>>, %arg12: memref<!tpu.dma_semaphore, #tpu.memory_space<semaphore_mem>>) attributes {dimension_semantics = [#tpu.dimension_semantics<core_parallel>, #tpu.dimension_semantics<subcore_parallel>], iteration_bounds = array<i64: 2, 16>, scalar_prefetch = 0 : i64, scratch_operands = 8 : i64, tpu.core_type = #tpu.core_type<sc_vector_subcore>, window_params = [{transform_indices = #map}, {transform_indices = #map1}, {transform_indices = #map1}]} {
    %mul3A = arith.constant 2 : i32
    %mul3A_0 = arith.muli %arg1, %mul3A : i32
    %add3A = arith.addi %mul3A_0, %arg0 : i32
    %mul3A_1 = arith.constant 512 : i32
    %mul3A_2 = arith.muli %add3A, %mul3A_1 : i32
    %add3A_3 = arith.constant 0 : i32
    %add3A_4 = arith.addi %mul3A_2, %add3A_3 : i32
    %mul3A_5 = arith.constant 50 : i32
    %mul3A_6 = arith.muli %add3A_4, %mul3A_5 : i32
    "tpu.region"() ({
      %run_scoped3A = tpu.sem_alloc : memref<!tpu.dma_semaphore, #tpu.memory_space<semaphore_mem>>
      %dma_start3A_23 = tpu.memref_slice %arg2[%mul3A_6] : memref<819200xi32, #tpu.memory_space<hbm>> -> memref<1600xi32, #tpu.memory_space<hbm>>
      %dma_start3A_24 = tpu.memref_slice %arg2[%mul3A_6] : memref<819200xi32, #tpu.memory_space<hbm>> -> memref<1600xi32, #tpu.memory_space<hbm>>
      tpu.enqueue_dma source(%dma_start3A_24 : memref<1600xi32, #tpu.memory_space<hbm>>) target(%arg5 : memref<1600xi32, #tpu.memory_space<vmem>>) target_semaphore(%run_scoped3A : memref<!tpu.dma_semaphore, #tpu.memory_space<semaphore_mem>>)
      %dma_wait3A = tpu.memref_slice %arg2[%mul3A_6] : memref<819200xi32, #tpu.memory_space<hbm>> -> memref<1600xi32, #tpu.memory_space<hbm>>
      %dma_wait3A_25 = tpu.memref_slice %arg2[%mul3A_6] : memref<819200xi32, #tpu.memory_space<hbm>> -> memref<1600xi32, #tpu.memory_space<hbm>>
      tpu.wait_dma2 semaphore(%run_scoped3A : memref<!tpu.dma_semaphore, #tpu.memory_space<semaphore_mem>>) src(%dma_wait3A_25 : memref<1600xi32, #tpu.memory_space<hbm>>) dst(%arg5 : memref<1600xi32, #tpu.memory_space<vmem>>)
      tpu.yield
    }) : () -> ()
    %dma_start3A = arith.constant 0 : i32
    %dma_start3A_7 = arith.constant 0 : i32
    %dma_start3A_8 = tpu.memref_slice %arg3[%dma_start3A, %dma_start3A_7] : memref<1048576x32xf32, #tpu.memory_space<hbm>> -> memref<1048576x32xf32, #tpu.memory_space<hbm>>
    tpu.enqueue_indirect_dma source(%dma_start3A_8 : memref<1048576x32xf32, #tpu.memory_space<hbm>>) target(%arg7 : memref<1600x32xf32, #tpu.memory_space<vmem>>) offsets(%arg5 : memref<1600xi32, #tpu.memory_space<vmem>>) semaphore(%arg11 : memref<!tpu.dma_semaphore, #tpu.memory_space<semaphore_mem>>)
    %mul3A_9 = arith.constant 512 : i32
    %mul3A_10 = arith.muli %add3A, %mul3A_9 : i32
    %add3A_11 = arith.constant 32 : i32
    %add3A_12 = arith.addi %mul3A_10, %add3A_11 : i32
    %mul3A_13 = arith.constant 50 : i32
    %mul3A_14 = arith.muli %add3A_12, %mul3A_13 : i32
    "tpu.region"() ({
      %run_scoped3A = tpu.sem_alloc : memref<!tpu.dma_semaphore, #tpu.memory_space<semaphore_mem>>
      %dma_start3A_23 = tpu.memref_slice %arg2[%mul3A_14] : memref<819200xi32, #tpu.memory_space<hbm>> -> memref<1600xi32, #tpu.memory_space<hbm>>
      %dma_start3A_24 = tpu.memref_slice %arg2[%mul3A_14] : memref<819200xi32, #tpu.memory_space<hbm>> -> memref<1600xi32, #tpu.memory_space<hbm>>
      tpu.enqueue_dma source(%dma_start3A_24 : memref<1600xi32, #tpu.memory_space<hbm>>) target(%arg6 : memref<1600xi32, #tpu.memory_space<vmem>>) target_semaphore(%run_scoped3A : memref<!tpu.dma_semaphore, #tpu.memory_space<semaphore_mem>>)
      %dma_wait3A = tpu.memref_slice %arg2[%mul3A_14] : memref<819200xi32, #tpu.memory_space<hbm>> -> memref<1600xi32, #tpu.memory_space<hbm>>
      %dma_wait3A_25 = tpu.memref_slice %arg2[%mul3A_14] : memref<819200xi32, #tpu.memory_space<hbm>> -> memref<1600xi32, #tpu.memory_space<hbm>>
      tpu.wait_dma2 semaphore(%run_scoped3A : memref<!tpu.dma_semaphore, #tpu.memory_space<semaphore_mem>>) src(%dma_wait3A_25 : memref<1600xi32, #tpu.memory_space<hbm>>) dst(%arg6 : memref<1600xi32, #tpu.memory_space<vmem>>)
      tpu.yield
    }) : () -> ()
    %dma_start3A_15 = arith.constant 0 : i32
    %dma_start3A_16 = arith.constant 0 : i32
    %dma_start3A_17 = tpu.memref_slice %arg3[%dma_start3A_15, %dma_start3A_16] : memref<1048576x32xf32, #tpu.memory_space<hbm>> -> memref<1048576x32xf32, #tpu.memory_space<hbm>>
    tpu.enqueue_indirect_dma source(%dma_start3A_17 : memref<1048576x32xf32, #tpu.memory_space<hbm>>) target(%arg8 : memref<1600x32xf32, #tpu.memory_space<vmem>>) offsets(%arg6 : memref<1600xi32, #tpu.memory_space<vmem>>) semaphore(%arg12 : memref<!tpu.dma_semaphore, #tpu.memory_space<semaphore_mem>>)
    %scan3A = arith.constant 0 : i32
    %scan3A_18 = arith.constant 0 : i32
    %scan3A_19 = arith.constant 8 : i32
    %scan3A_20 = arith.addi %scan3A_18, %scan3A_19 : i32
    %scan3A_21 = arith.constant 1 : i32
    scf.for %scan3A_23 = %scan3A_18 to %scan3A_20 step %scan3A_21  : i32 {
      %mul3A_24 = arith.constant 2 : i32
      %mul3A_25 = arith.muli %scan3A_23, %mul3A_24 : i32
      %add3A_26 = arith.constant 0 : i32
      %add3A_27 = arith.addi %mul3A_25, %add3A_26 : i32
      %dma_wait3A = arith.constant 0 : i32
      %dma_wait3A_28 = arith.constant 0 : i32
      %dma_wait3A_29 = tpu.memref_slice %arg3[%dma_wait3A, %dma_wait3A_28] : memref<1048576x32xf32, #tpu.memory_space<hbm>> -> memref<1048576x32xf32, #tpu.memory_space<hbm>>
      tpu.wait_indirect_dma semaphore(%arg11 : memref<!tpu.dma_semaphore, #tpu.memory_space<semaphore_mem>>) src(%dma_wait3A_29 : memref<1048576x32xf32, #tpu.memory_space<hbm>>) dst(%arg7 : memref<1600x32xf32, #tpu.memory_space<vmem>>)
      %scan3A_30 = arith.constant 0 : i32
      %scan3A_31 = arith.constant 0 : i32
      %scan3A_32 = arith.constant 32 : i32
      %scan3A_33 = arith.addi %scan3A_31, %scan3A_32 : i32
      %scan3A_34 = arith.constant 1 : i32
      scf.for %scan3A_72 = %scan3A_31 to %scan3A_33 step %scan3A_34  : i32 {
        %mul3A_73 = arith.constant 50 : i32
        %mul3A_74 = arith.muli %scan3A_72, %mul3A_73 : i32
        %get3A = arith.index_cast %mul3A_74 : i32 to index
        %get3A_75 = arith.constant 0 : index
        %get3A_76 = tpu.vector_load %arg7[%get3A, %get3A_75] {strides = array<i32>} : memref<1600x32xf32, #tpu.memory_space<vmem>>, vector<1x16xf32>,
        %get3A_77 = vector.shape_cast %get3A_76 : vector<1x16xf32> to vector<16xf32>
        %mul3A_78 = arith.constant 50 : i32
        %mul3A_79 = arith.muli %scan3A_72, %mul3A_78 : i32
        %get3A_80 = arith.index_cast %mul3A_79 : i32 to index
        %get3A_81 = arith.constant 16 : index
        %get3A_82 = tpu.vector_load %arg7[%get3A_80, %get3A_81] {strides = array<i32>} : memref<1600x32xf32, #tpu.memory_space<vmem>>, vector<1x16xf32>,
        %get3A_83 = vector.shape_cast %get3A_82 : vector<1x16xf32> to vector<16xf32>
        %mul3A_84 = arith.constant 50 : i32
        %mul3A_85 = arith.muli %scan3A_72, %mul3A_84 : i32
        %add3A_86 = arith.constant 1 : i32
        %add3A_87 = arith.addi %mul3A_85, %add3A_86 : i32
        %get3A_88 = arith.index_cast %add3A_87 : i32 to index
        %get3A_89 = arith.constant 0 : index
        %get3A_90 = tpu.vector_load %arg7[%get3A_88, %get3A_89] {strides = array<i32>} : memref<1600x32xf32, #tpu.memory_space<vmem>>, vector<1x16xf32>,
        %get3A_91 = vector.shape_cast %get3A_90 : vector<1x16xf32> to vector<16xf32>
        %add3A_92 = arith.addf %get3A_77, %get3A_91 : vector<16xf32>
        %mul3A_93 = arith.constant 50 : i32
        %mul3A_94 = arith.muli %scan3A_72, %mul3A_93 : i32
        %add3A_95 = arith.constant 1 : i32
        %add3A_96 = arith.addi %mul3A_94, %add3A_95 : i32
        %get3A_97 = arith.index_cast %add3A_96 : i32 to index
        %get3A_98 = arith.constant 16 : index
        %get3A_99 = tpu.vector_load %arg7[%get3A_97, %get3A_98] {strides = array<i32>} : memref<1600x32xf32, #tpu.memory_space<vmem>>, vector<1x16xf32>,
        %get3A_100 = vector.shape_cast %get3A_99 : vector<1x16xf32> to vector<16xf32>
        %add3A_101 = arith.addf %get3A_83, %get3A_100 : vector<16xf32>
        %mul3A_102 = arith.constant 50 : i32
        %mul3A_103 = arith.muli %scan3A_72, %mul3A_102 : i32
        %add3A_104 = arith.constant 2 : i32
        %add3A_105 = arith.addi %mul3A_103, %add3A_104 : i32
        %get3A_106 = arith.index_cast %add3A_105 : i32 to index
        %get3A_107 = arith.constant 0 : index
        %get3A_108 = tpu.vector_load %arg7[%get3A_106, %get3A_107] {strides = array<i32>} : memref<1600x32xf32, #tpu.memory_space<vmem>>, vector<1x16xf32>,
        %get3A_109 = vector.shape_cast %get3A_108 : vector<1x16xf32> to vector<16xf32>
        %add3A_110 = arith.addf %add3A_92, %get3A_109 : vector<16xf32>
        %mul3A_111 = arith.constant 50 : i32
        %mul3A_112 = arith.muli %scan3A_72, %mul3A_111 : i32
        %add3A_113 = arith.constant 2 : i32
        %add3A_114 = arith.addi %mul3A_112, %add3A_113 : i32
        %get3A_115 = arith.index_cast %add3A_114 : i32 to index
        %get3A_116 = arith.constant 16 : index
        %get3A_117 = tpu.vector_load %arg7[%get3A_115, %get3A_116] {strides = array<i32>} : memref<1600x32xf32, #tpu.memory_space<vmem>>, vector<1x16xf32>,
        %get3A_118 = vector.shape_cast %get3A_117 : vector<1x16xf32> to vector<16xf32>
        %add3A_119 = arith.addf %add3A_101, %get3A_118 : vector<16xf32>
        %mul3A_120 = arith.constant 50 : i32
        %mul3A_121 = arith.muli %scan3A_72, %mul3A_120 : i32
        %add3A_122 = arith.constant 3 : i32
        %add3A_123 = arith.addi %mul3A_121, %add3A_122 : i32
        %get3A_124 = arith.index_cast %add3A_123 : i32 to index
        %get3A_125 = arith.constant 0 : index
        %get3A_126 = tpu.vector_load %arg7[%get3A_124, %get3A_125] {strides = array<i32>} : memref<1600x32xf32, #tpu.memory_space<vmem>>, vector<1x16xf32>,
        %get3A_127 = vector.shape_cast %get3A_126 : vector<1x16xf32> to vector<16xf32>
        %add3A_128 = arith.addf %add3A_110, %get3A_127 : vector<16xf32>
        %mul3A_129 = arith.constant 50 : i32
        %mul3A_130 = arith.muli %scan3A_72, %mul3A_129 : i32
        %add3A_131 = arith.constant 3 : i32
        %add3A_132 = arith.addi %mul3A_130, %add3A_131 : i32
        %get3A_133 = arith.index_cast %add3A_132 : i32 to index
        %get3A_134 = arith.constant 16 : index
        %get3A_135 = tpu.vector_load %arg7[%get3A_133, %get3A_134] {strides = array<i32>} : memref<1600x32xf32, #tpu.memory_space<vmem>>, vector<1x16xf32>,
        %get3A_136 = vector.shape_cast %get3A_135 : vector<1x16xf32> to vector<16xf32>
        %add3A_137 = arith.addf %add3A_119, %get3A_136 : vector<16xf32>
        %mul3A_138 = arith.constant 50 : i32
        %mul3A_139 = arith.muli %scan3A_72, %mul3A_138 : i32
        %add3A_140 = arith.constant 4 : i32
        %add3A_141 = arith.addi %mul3A_139, %add3A_140 : i32
        %get3A_142 = arith.index_cast %add3A_141 : i32 to index
        %get3A_143 = arith.constant 0 : index
        %get3A_144 = tpu.vector_load %arg7[%get3A_142, %get3A_143] {strides = array<i32>} : memref<1600x32xf32, #tpu.memory_space<vmem>>, vector<1x16xf32>,
        %get3A_145 = vector.shape_cast %get3A_144 : vector<1x16xf32> to vector<16xf32>
        %add3A_146 = arith.addf %add3A_128, %get3A_145 : vector<16xf32>
        %mul3A_147 = arith.constant 50 : i32
        %mul3A_148 = arith.muli %scan3A_72, %mul3A_147 : i32
        %add3A_149 = arith.constant 4 : i32
        %add3A_150 = arith.addi %mul3A_148, %add3A_149 : i32
        %get3A_151 = arith.index_cast %add3A_150 : i32 to index
        %get3A_152 = arith.constant 16 : index
        %get3A_153 = tpu.vector_load %arg7[%get3A_151, %get3A_152] {strides = array<i32>} : memref<1600x32xf32, #tpu.memory_space<vmem>>, vector<1x16xf32>,
        %get3A_154 = vector.shape_cast %get3A_153 : vector<1x16xf32> to vector<16xf32>
        %add3A_155 = arith.addf %add3A_137, %get3A_154 : vector<16xf32>
        %mul3A_156 = arith.constant 50 : i32
        %mul3A_157 = arith.muli %scan3A_72, %mul3A_156 : i32
        %add3A_158 = arith.constant 5 : i32
        %add3A_159 = arith.addi %mul3A_157, %add3A_158 : i32
        %get3A_160 = arith.index_cast %add3A_159 : i32 to index
        %get3A_161 = arith.constant 0 : index
        %get3A_162 = tpu.vector_load %arg7[%get3A_160, %get3A_161] {strides = array<i32>} : memref<1600x32xf32, #tpu.memory_space<vmem>>, vector<1x16xf32>,
        %get3A_163 = vector.shape_cast %get3A_162 : vector<1x16xf32> to vector<16xf32>
        %add3A_164 = arith.addf %add3A_146, %get3A_163 : vector<16xf32>
        %mul3A_165 = arith.constant 50 : i32
        %mul3A_166 = arith.muli %scan3A_72, %mul3A_165 : i32
        %add3A_167 = arith.constant 5 : i32
        %add3A_168 = arith.addi %mul3A_166, %add3A_167 : i32
        %get3A_169 = arith.index_cast %add3A_168 : i32 to index
        %get3A_170 = arith.constant 16 : index
        %get3A_171 = tpu.vector_load %arg7[%get3A_169, %get3A_170] {strides = array<i32>} : memref<1600x32xf32, #tpu.memory_space<vmem>>, vector<1x16xf32>,
        %get3A_172 = vector.shape_cast %get3A_171 : vector<1x16xf32> to vector<16xf32>
        %add3A_173 = arith.addf %add3A_155, %get3A_172 : vector<16xf32>
        %mul3A_174 = arith.constant 50 : i32
        %mul3A_175 = arith.muli %scan3A_72, %mul3A_174 : i32
        %add3A_176 = arith.constant 6 : i32
        %add3A_177 = arith.addi %mul3A_175, %add3A_176 : i32
        %get3A_178 = arith.index_cast %add3A_177 : i32 to index
        %get3A_179 = arith.constant 0 : index
        %get3A_180 = tpu.vector_load %arg7[%get3A_178, %get3A_179] {strides = array<i32>} : memref<1600x32xf32, #tpu.memory_space<vmem>>, vector<1x16xf32>,
        %get3A_181 = vector.shape_cast %get3A_180 : vector<1x16xf32> to vector<16xf32>
        %add3A_182 = arith.addf %add3A_164, %get3A_181 : vector<16xf32>
        %mul3A_183 = arith.constant 50 : i32
        %mul3A_184 = arith.muli %scan3A_72, %mul3A_183 : i32
        %add3A_185 = arith.constant 6 : i32
        %add3A_186 = arith.addi %mul3A_184, %add3A_185 : i32
        %get3A_187 = arith.index_cast %add3A_186 : i32 to index
        %get3A_188 = arith.constant 16 : index
        %get3A_189 = tpu.vector_load %arg7[%get3A_187, %get3A_188] {strides = array<i32>} : memref<1600x32xf32, #tpu.memory_space<vmem>>, vector<1x16xf32>,
        %get3A_190 = vector.shape_cast %get3A_189 : vector<1x16xf32> to vector<16xf32>
        %add3A_191 = arith.addf %add3A_173, %get3A_190 : vector<16xf32>
        %mul3A_192 = arith.constant 50 : i32
        %mul3A_193 = arith.muli %scan3A_72, %mul3A_192 : i32
        %add3A_194 = arith.constant 7 : i32
        %add3A_195 = arith.addi %mul3A_193, %add3A_194 : i32
        %get3A_196 = arith.index_cast %add3A_195 : i32 to index
        %get3A_197 = arith.constant 0 : index
        %get3A_198 = tpu.vector_load %arg7[%get3A_196, %get3A_197] {strides = array<i32>} : memref<1600x32xf32, #tpu.memory_space<vmem>>, vector<1x16xf32>,
        %get3A_199 = vector.shape_cast %get3A_198 : vector<1x16xf32> to vector<16xf32>
        %add3A_200 = arith.addf %add3A_182, %get3A_199 : vector<16xf32>
        %mul3A_201 = arith.constant 50 : i32
        %mul3A_202 = arith.muli %scan3A_72, %mul3A_201 : i32
        %add3A_203 = arith.constant 7 : i32
        %add3A_204 = arith.addi %mul3A_202, %add3A_203 : i32
        %get3A_205 = arith.index_cast %add3A_204 : i32 to index
        %get3A_206 = arith.constant 16 : index
        %get3A_207 = tpu.vector_load %arg7[%get3A_205, %get3A_206] {strides = array<i32>} : memref<1600x32xf32, #tpu.memory_space<vmem>>, vector<1x16xf32>,
        %get3A_208 = vector.shape_cast %get3A_207 : vector<1x16xf32> to vector<16xf32>
        %add3A_209 = arith.addf %add3A_191, %get3A_208 : vector<16xf32>
        %mul3A_210 = arith.constant 50 : i32
        %mul3A_211 = arith.muli %scan3A_72, %mul3A_210 : i32
        %add3A_212 = arith.constant 8 : i32
        %add3A_213 = arith.addi %mul3A_211, %add3A_212 : i32
        %get3A_214 = arith.index_cast %add3A_213 : i32 to index
        %get3A_215 = arith.constant 0 : index
        %get3A_216 = tpu.vector_load %arg7[%get3A_214, %get3A_215] {strides = array<i32>} : memref<1600x32xf32, #tpu.memory_space<vmem>>, vector<1x16xf32>,
        %get3A_217 = vector.shape_cast %get3A_216 : vector<1x16xf32> to vector<16xf32>
        %add3A_218 = arith.addf %add3A_200, %get3A_217 : vector<16xf32>
        %mul3A_219 = arith.constant 50 : i32
        %mul3A_220 = arith.muli %scan3A_72, %mul3A_219 : i32
        %add3A_221 = arith.constant 8 : i32
        %add3A_222 = arith.addi %mul3A_220, %add3A_221 : i32
        %get3A_223 = arith.index_cast %add3A_222 : i32 to index
        %get3A_224 = arith.constant 16 : index
        %get3A_225 = tpu.vector_load %arg7[%get3A_223, %get3A_224] {strides = array<i32>} : memref<1600x32xf32, #tpu.memory_space<vmem>>, vector<1x16xf32>,
        %get3A_226 = vector.shape_cast %get3A_225 : vector<1x16xf32> to vector<16xf32>
        %add3A_227 = arith.addf %add3A_209, %get3A_226 : vector<16xf32>
        %mul3A_228 = arith.constant 50 : i32
        %mul3A_229 = arith.muli %scan3A_72, %mul3A_228 : i32
        %add3A_230 = arith.constant 9 : i32
        %add3A_231 = arith.addi %mul3A_229, %add3A_230 : i32
        %get3A_232 = arith.index_cast %add3A_231 : i32 to index
        %get3A_233 = arith.constant 0 : index
        %get3A_234 = tpu.vector_load %arg7[%get3A_232, %get3A_233] {strides = array<i32>} : memref<1600x32xf32, #tpu.memory_space<vmem>>, vector<1x16xf32>,
        %get3A_235 = vector.shape_cast %get3A_234 : vector<1x16xf32> to vector<16xf32>
        %add3A_236 = arith.addf %add3A_218, %get3A_235 : vector<16xf32>
        %mul3A_237 = arith.constant 50 : i32
        %mul3A_238 = arith.muli %scan3A_72, %mul3A_237 : i32
        %add3A_239 = arith.constant 9 : i32
        %add3A_240 = arith.addi %mul3A_238, %add3A_239 : i32
        %get3A_241 = arith.index_cast %add3A_240 : i32 to index
        %get3A_242 = arith.constant 16 : index
        %get3A_243 = tpu.vector_load %arg7[%get3A_241, %get3A_242] {strides = array<i32>} : memref<1600x32xf32, #tpu.memory_space<vmem>>, vector<1x16xf32>,
        %get3A_244 = vector.shape_cast %get3A_243 : vector<1x16xf32> to vector<16xf32>
        %add3A_245 = arith.addf %add3A_227, %get3A_244 : vector<16xf32>
        %mul3A_246 = arith.constant 50 : i32
        %mul3A_247 = arith.muli %scan3A_72, %mul3A_246 : i32
        %add3A_248 = arith.constant 10 : i32
        %add3A_249 = arith.addi %mul3A_247, %add3A_248 : i32
        %get3A_250 = arith.index_cast %add3A_249 : i32 to index
        %get3A_251 = arith.constant 0 : index
        %get3A_252 = tpu.vector_load %arg7[%get3A_250, %get3A_251] {strides = array<i32>} : memref<1600x32xf32, #tpu.memory_space<vmem>>, vector<1x16xf32>,
        %get3A_253 = vector.shape_cast %get3A_252 : vector<1x16xf32> to vector<16xf32>
        %add3A_254 = arith.addf %add3A_236, %get3A_253 : vector<16xf32>
        %mul3A_255 = arith.constant 50 : i32
        %mul3A_256 = arith.muli %scan3A_72, %mul3A_255 : i32
        %add3A_257 = arith.constant 10 : i32
        %add3A_258 = arith.addi %mul3A_256, %add3A_257 : i32
        %get3A_259 = arith.index_cast %add3A_258 : i32 to index
        %get3A_260 = arith.constant 16 : index
        %get3A_261 = tpu.vector_load %arg7[%get3A_259, %get3A_260] {strides = array<i32>} : memref<1600x32xf32, #tpu.memory_space<vmem>>, vector<1x16xf32>,
        %get3A_262 = vector.shape_cast %get3A_261 : vector<1x16xf32> to vector<16xf32>
        %add3A_263 = arith.addf %add3A_245, %get3A_262 : vector<16xf32>
        %mul3A_264 = arith.constant 50 : i32
        %mul3A_265 = arith.muli %scan3A_72, %mul3A_264 : i32
        %add3A_266 = arith.constant 11 : i32
        %add3A_267 = arith.addi %mul3A_265, %add3A_266 : i32
        %get3A_268 = arith.index_cast %add3A_267 : i32 to index
        %get3A_269 = arith.constant 0 : index
        %get3A_270 = tpu.vector_load %arg7[%get3A_268, %get3A_269] {strides = array<i32>} : memref<1600x32xf32, #tpu.memory_space<vmem>>, vector<1x16xf32>,
        %get3A_271 = vector.shape_cast %get3A_270 : vector<1x16xf32> to vector<16xf32>
        %add3A_272 = arith.addf %add3A_254, %get3A_271 : vector<16xf32>
        %mul3A_273 = arith.constant 50 : i32
        %mul3A_274 = arith.muli %scan3A_72, %mul3A_273 : i32
        %add3A_275 = arith.constant 11 : i32
        %add3A_276 = arith.addi %mul3A_274, %add3A_275 : i32
        %get3A_277 = arith.index_cast %add3A_276 : i32 to index
        %get3A_278 = arith.constant 16 : index
        %get3A_279 = tpu.vector_load %arg7[%get3A_277, %get3A_278] {strides = array<i32>} : memref<1600x32xf32, #tpu.memory_space<vmem>>, vector<1x16xf32>,
        %get3A_280 = vector.shape_cast %get3A_279 : vector<1x16xf32> to vector<16xf32>
        %add3A_281 = arith.addf %add3A_263, %get3A_280 : vector<16xf32>
        %mul3A_282 = arith.constant 50 : i32
        %mul3A_283 = arith.muli %scan3A_72, %mul3A_282 : i32
        %add3A_284 = arith.constant 12 : i32
        %add3A_285 = arith.addi %mul3A_283, %add3A_284 : i32
        %get3A_286 = arith.index_cast %add3A_285 : i32 to index
        %get3A_287 = arith.constant 0 : index
        %get3A_288 = tpu.vector_load %arg7[%get3A_286, %get3A_287] {strides = array<i32>} : memref<1600x32xf32, #tpu.memory_space<vmem>>, vector<1x16xf32>,
        %get3A_289 = vector.shape_cast %get3A_288 : vector<1x16xf32> to vector<16xf32>
        %add3A_290 = arith.addf %add3A_272, %get3A_289 : vector<16xf32>
        %mul3A_291 = arith.constant 50 : i32
        %mul3A_292 = arith.muli %scan3A_72, %mul3A_291 : i32
        %add3A_293 = arith.constant 12 : i32
        %add3A_294 = arith.addi %mul3A_292, %add3A_293 : i32
        %get3A_295 = arith.index_cast %add3A_294 : i32 to index
        %get3A_296 = arith.constant 16 : index
        %get3A_297 = tpu.vector_load %arg7[%get3A_295, %get3A_296] {strides = array<i32>} : memref<1600x32xf32, #tpu.memory_space<vmem>>, vector<1x16xf32>,
        %get3A_298 = vector.shape_cast %get3A_297 : vector<1x16xf32> to vector<16xf32>
        %add3A_299 = arith.addf %add3A_281, %get3A_298 : vector<16xf32>
        %mul3A_300 = arith.constant 50 : i32
        %mul3A_301 = arith.muli %scan3A_72, %mul3A_300 : i32
        %add3A_302 = arith.constant 13 : i32
        %add3A_303 = arith.addi %mul3A_301, %add3A_302 : i32
        %get3A_304 = arith.index_cast %add3A_303 : i32 to index
        %get3A_305 = arith.constant 0 : index
        %get3A_306 = tpu.vector_load %arg7[%get3A_304, %get3A_305] {strides = array<i32>} : memref<1600x32xf32, #tpu.memory_space<vmem>>, vector<1x16xf32>,
        %get3A_307 = vector.shape_cast %get3A_306 : vector<1x16xf32> to vector<16xf32>
        %add3A_308 = arith.addf %add3A_290, %get3A_307 : vector<16xf32>
        %mul3A_309 = arith.constant 50 : i32
        %mul3A_310 = arith.muli %scan3A_72, %mul3A_309 : i32
        %add3A_311 = arith.constant 13 : i32
        %add3A_312 = arith.addi %mul3A_310, %add3A_311 : i32
        %get3A_313 = arith.index_cast %add3A_312 : i32 to index
        %get3A_314 = arith.constant 16 : index
        %get3A_315 = tpu.vector_load %arg7[%get3A_313, %get3A_314] {strides = array<i32>} : memref<1600x32xf32, #tpu.memory_space<vmem>>, vector<1x16xf32>,
        %get3A_316 = vector.shape_cast %get3A_315 : vector<1x16xf32> to vector<16xf32>
        %add3A_317 = arith.addf %add3A_299, %get3A_316 : vector<16xf32>
        %mul3A_318 = arith.constant 50 : i32
        %mul3A_319 = arith.muli %scan3A_72, %mul3A_318 : i32
        %add3A_320 = arith.constant 14 : i32
        %add3A_321 = arith.addi %mul3A_319, %add3A_320 : i32
        %get3A_322 = arith.index_cast %add3A_321 : i32 to index
        %get3A_323 = arith.constant 0 : index
        %get3A_324 = tpu.vector_load %arg7[%get3A_322, %get3A_323] {strides = array<i32>} : memref<1600x32xf32, #tpu.memory_space<vmem>>, vector<1x16xf32>,
        %get3A_325 = vector.shape_cast %get3A_324 : vector<1x16xf32> to vector<16xf32>
        %add3A_326 = arith.addf %add3A_308, %get3A_325 : vector<16xf32>
        %mul3A_327 = arith.constant 50 : i32
        %mul3A_328 = arith.muli %scan3A_72, %mul3A_327 : i32
        %add3A_329 = arith.constant 14 : i32
        %add3A_330 = arith.addi %mul3A_328, %add3A_329 : i32
        %get3A_331 = arith.index_cast %add3A_330 : i32 to index
        %get3A_332 = arith.constant 16 : index
        %get3A_333 = tpu.vector_load %arg7[%get3A_331, %get3A_332] {strides = array<i32>} : memref<1600x32xf32, #tpu.memory_space<vmem>>, vector<1x16xf32>,
        %get3A_334 = vector.shape_cast %get3A_333 : vector<1x16xf32> to vector<16xf32>
        %add3A_335 = arith.addf %add3A_317, %get3A_334 : vector<16xf32>
        %mul3A_336 = arith.constant 50 : i32
        %mul3A_337 = arith.muli %scan3A_72, %mul3A_336 : i32
        %add3A_338 = arith.constant 15 : i32
        %add3A_339 = arith.addi %mul3A_337, %add3A_338 : i32
        %get3A_340 = arith.index_cast %add3A_339 : i32 to index
        %get3A_341 = arith.constant 0 : index
        %get3A_342 = tpu.vector_load %arg7[%get3A_340, %get3A_341] {strides = array<i32>} : memref<1600x32xf32, #tpu.memory_space<vmem>>, vector<1x16xf32>,
        %get3A_343 = vector.shape_cast %get3A_342 : vector<1x16xf32> to vector<16xf32>
        %add3A_344 = arith.addf %add3A_326, %get3A_343 : vector<16xf32>
        %mul3A_345 = arith.constant 50 : i32
        %mul3A_346 = arith.muli %scan3A_72, %mul3A_345 : i32
        %add3A_347 = arith.constant 15 : i32
        %add3A_348 = arith.addi %mul3A_346, %add3A_347 : i32
        %get3A_349 = arith.index_cast %add3A_348 : i32 to index
        %get3A_350 = arith.constant 16 : index
        %get3A_351 = tpu.vector_load %arg7[%get3A_349, %get3A_350] {strides = array<i32>} : memref<1600x32xf32, #tpu.memory_space<vmem>>, vector<1x16xf32>,
        %get3A_352 = vector.shape_cast %get3A_351 : vector<1x16xf32> to vector<16xf32>
        %add3A_353 = arith.addf %add3A_335, %get3A_352 : vector<16xf32>
        %mul3A_354 = arith.constant 50 : i32
        %mul3A_355 = arith.muli %scan3A_72, %mul3A_354 : i32
        %add3A_356 = arith.constant 16 : i32
        %add3A_357 = arith.addi %mul3A_355, %add3A_356 : i32
        %get3A_358 = arith.index_cast %add3A_357 : i32 to index
        %get3A_359 = arith.constant 0 : index
        %get3A_360 = tpu.vector_load %arg7[%get3A_358, %get3A_359] {strides = array<i32>} : memref<1600x32xf32, #tpu.memory_space<vmem>>, vector<1x16xf32>,
        %get3A_361 = vector.shape_cast %get3A_360 : vector<1x16xf32> to vector<16xf32>
        %add3A_362 = arith.addf %add3A_344, %get3A_361 : vector<16xf32>
        %mul3A_363 = arith.constant 50 : i32
        %mul3A_364 = arith.muli %scan3A_72, %mul3A_363 : i32
        %add3A_365 = arith.constant 16 : i32
        %add3A_366 = arith.addi %mul3A_364, %add3A_365 : i32
        %get3A_367 = arith.index_cast %add3A_366 : i32 to index
        %get3A_368 = arith.constant 16 : index
        %get3A_369 = tpu.vector_load %arg7[%get3A_367, %get3A_368] {strides = array<i32>} : memref<1600x32xf32, #tpu.memory_space<vmem>>, vector<1x16xf32>,
        %get3A_370 = vector.shape_cast %get3A_369 : vector<1x16xf32> to vector<16xf32>
        %add3A_371 = arith.addf %add3A_353, %get3A_370 : vector<16xf32>
        %mul3A_372 = arith.constant 50 : i32
        %mul3A_373 = arith.muli %scan3A_72, %mul3A_372 : i32
        %add3A_374 = arith.constant 17 : i32
        %add3A_375 = arith.addi %mul3A_373, %add3A_374 : i32
        %get3A_376 = arith.index_cast %add3A_375 : i32 to index
        %get3A_377 = arith.constant 0 : index
        %get3A_378 = tpu.vector_load %arg7[%get3A_376, %get3A_377] {strides = array<i32>} : memref<1600x32xf32, #tpu.memory_space<vmem>>, vector<1x16xf32>,
        %get3A_379 = vector.shape_cast %get3A_378 : vector<1x16xf32> to vector<16xf32>
        %add3A_380 = arith.addf %add3A_362, %get3A_379 : vector<16xf32>
        %mul3A_381 = arith.constant 50 : i32
        %mul3A_382 = arith.muli %scan3A_72, %mul3A_381 : i32
        %add3A_383 = arith.constant 17 : i32
        %add3A_384 = arith.addi %mul3A_382, %add3A_383 : i32
        %get3A_385 = arith.index_cast %add3A_384 : i32 to index
        %get3A_386 = arith.constant 16 : index
        %get3A_387 = tpu.vector_load %arg7[%get3A_385, %get3A_386] {strides = array<i32>} : memref<1600x32xf32, #tpu.memory_space<vmem>>, vector<1x16xf32>,
        %get3A_388 = vector.shape_cast %get3A_387 : vector<1x16xf32> to vector<16xf32>
        %add3A_389 = arith.addf %add3A_371, %get3A_388 : vector<16xf32>
        %mul3A_390 = arith.constant 50 : i32
        %mul3A_391 = arith.muli %scan3A_72, %mul3A_390 : i32
        %add3A_392 = arith.constant 18 : i32
        %add3A_393 = arith.addi %mul3A_391, %add3A_392 : i32
        %get3A_394 = arith.index_cast %add3A_393 : i32 to index
        %get3A_395 = arith.constant 0 : index
        %get3A_396 = tpu.vector_load %arg7[%get3A_394, %get3A_395] {strides = array<i32>} : memref<1600x32xf32, #tpu.memory_space<vmem>>, vector<1x16xf32>,
        %get3A_397 = vector.shape_cast %get3A_396 : vector<1x16xf32> to vector<16xf32>
        %add3A_398 = arith.addf %add3A_380, %get3A_397 : vector<16xf32>
        %mul3A_399 = arith.constant 50 : i32
        %mul3A_400 = arith.muli %scan3A_72, %mul3A_399 : i32
        %add3A_401 = arith.constant 18 : i32
        %add3A_402 = arith.addi %mul3A_400, %add3A_401 : i32
        %get3A_403 = arith.index_cast %add3A_402 : i32 to index
        %get3A_404 = arith.constant 16 : index
        %get3A_405 = tpu.vector_load %arg7[%get3A_403, %get3A_404] {strides = array<i32>} : memref<1600x32xf32, #tpu.memory_space<vmem>>, vector<1x16xf32>,
        %get3A_406 = vector.shape_cast %get3A_405 : vector<1x16xf32> to vector<16xf32>
        %add3A_407 = arith.addf %add3A_389, %get3A_406 : vector<16xf32>
        %mul3A_408 = arith.constant 50 : i32
        %mul3A_409 = arith.muli %scan3A_72, %mul3A_408 : i32
        %add3A_410 = arith.constant 19 : i32
        %add3A_411 = arith.addi %mul3A_409, %add3A_410 : i32
        %get3A_412 = arith.index_cast %add3A_411 : i32 to index
        %get3A_413 = arith.constant 0 : index
        %get3A_414 = tpu.vector_load %arg7[%get3A_412, %get3A_413] {strides = array<i32>} : memref<1600x32xf32, #tpu.memory_space<vmem>>, vector<1x16xf32>,
        %get3A_415 = vector.shape_cast %get3A_414 : vector<1x16xf32> to vector<16xf32>
        %add3A_416 = arith.addf %add3A_398, %get3A_415 : vector<16xf32>
        %mul3A_417 = arith.constant 50 : i32
        %mul3A_418 = arith.muli %scan3A_72, %mul3A_417 : i32
        %add3A_419 = arith.constant 19 : i32
        %add3A_420 = arith.addi %mul3A_418, %add3A_419 : i32
        %get3A_421 = arith.index_cast %add3A_420 : i32 to index
        %get3A_422 = arith.constant 16 : index
        %get3A_423 = tpu.vector_load %arg7[%get3A_421, %get3A_422] {strides = array<i32>} : memref<1600x32xf32, #tpu.memory_space<vmem>>, vector<1x16xf32>,
        %get3A_424 = vector.shape_cast %get3A_423 : vector<1x16xf32> to vector<16xf32>
        %add3A_425 = arith.addf %add3A_407, %get3A_424 : vector<16xf32>
        %mul3A_426 = arith.constant 50 : i32
        %mul3A_427 = arith.muli %scan3A_72, %mul3A_426 : i32
        %add3A_428 = arith.constant 20 : i32
        %add3A_429 = arith.addi %mul3A_427, %add3A_428 : i32
        %get3A_430 = arith.index_cast %add3A_429 : i32 to index
        %get3A_431 = arith.constant 0 : index
        %get3A_432 = tpu.vector_load %arg7[%get3A_430, %get3A_431] {strides = array<i32>} : memref<1600x32xf32, #tpu.memory_space<vmem>>, vector<1x16xf32>,
        %get3A_433 = vector.shape_cast %get3A_432 : vector<1x16xf32> to vector<16xf32>
        %add3A_434 = arith.addf %add3A_416, %get3A_433 : vector<16xf32>
        %mul3A_435 = arith.constant 50 : i32
        %mul3A_436 = arith.muli %scan3A_72, %mul3A_435 : i32
        %add3A_437 = arith.constant 20 : i32
        %add3A_438 = arith.addi %mul3A_436, %add3A_437 : i32
        %get3A_439 = arith.index_cast %add3A_438 : i32 to index
        %get3A_440 = arith.constant 16 : index
        %get3A_441 = tpu.vector_load %arg7[%get3A_439, %get3A_440] {strides = array<i32>} : memref<1600x32xf32, #tpu.memory_space<vmem>>, vector<1x16xf32>,
        %get3A_442 = vector.shape_cast %get3A_441 : vector<1x16xf32> to vector<16xf32>
        %add3A_443 = arith.addf %add3A_425, %get3A_442 : vector<16xf32>
        %mul3A_444 = arith.constant 50 : i32
        %mul3A_445 = arith.muli %scan3A_72, %mul3A_444 : i32
        %add3A_446 = arith.constant 21 : i32
        %add3A_447 = arith.addi %mul3A_445, %add3A_446 : i32
        %get3A_448 = arith.index_cast %add3A_447 : i32 to index
        %get3A_449 = arith.constant 0 : index
        %get3A_450 = tpu.vector_load %arg7[%get3A_448, %get3A_449] {strides = array<i32>} : memref<1600x32xf32, #tpu.memory_space<vmem>>, vector<1x16xf32>,
        %get3A_451 = vector.shape_cast %get3A_450 : vector<1x16xf32> to vector<16xf32>
        %add3A_452 = arith.addf %add3A_434, %get3A_451 : vector<16xf32>
        %mul3A_453 = arith.constant 50 : i32
        %mul3A_454 = arith.muli %scan3A_72, %mul3A_453 : i32
        %add3A_455 = arith.constant 21 : i32
        %add3A_456 = arith.addi %mul3A_454, %add3A_455 : i32
        %get3A_457 = arith.index_cast %add3A_456 : i32 to index
        %get3A_458 = arith.constant 16 : index
        %get3A_459 = tpu.vector_load %arg7[%get3A_457, %get3A_458] {strides = array<i32>} : memref<1600x32xf32, #tpu.memory_space<vmem>>, vector<1x16xf32>,
        %get3A_460 = vector.shape_cast %get3A_459 : vector<1x16xf32> to vector<16xf32>
        %add3A_461 = arith.addf %add3A_443, %get3A_460 : vector<16xf32>
        %mul3A_462 = arith.constant 50 : i32
        %mul3A_463 = arith.muli %scan3A_72, %mul3A_462 : i32
        %add3A_464 = arith.constant 22 : i32
        %add3A_465 = arith.addi %mul3A_463, %add3A_464 : i32
        %get3A_466 = arith.index_cast %add3A_465 : i32 to index
        %get3A_467 = arith.constant 0 : index
        %get3A_468 = tpu.vector_load %arg7[%get3A_466, %get3A_467] {strides = array<i32>} : memref<1600x32xf32, #tpu.memory_space<vmem>>, vector<1x16xf32>,
        %get3A_469 = vector.shape_cast %get3A_468 : vector<1x16xf32> to vector<16xf32>
        %add3A_470 = arith.addf %add3A_452, %get3A_469 : vector<16xf32>
        %mul3A_471 = arith.constant 50 : i32
        %mul3A_472 = arith.muli %scan3A_72, %mul3A_471 : i32
        %add3A_473 = arith.constant 22 : i32
        %add3A_474 = arith.addi %mul3A_472, %add3A_473 : i32
        %get3A_475 = arith.index_cast %add3A_474 : i32 to index
        %get3A_476 = arith.constant 16 : index
        %get3A_477 = tpu.vector_load %arg7[%get3A_475, %get3A_476] {strides = array<i32>} : memref<1600x32xf32, #tpu.memory_space<vmem>>, vector<1x16xf32>,
        %get3A_478 = vector.shape_cast %get3A_477 : vector<1x16xf32> to vector<16xf32>
        %add3A_479 = arith.addf %add3A_461, %get3A_478 : vector<16xf32>
        %mul3A_480 = arith.constant 50 : i32
        %mul3A_481 = arith.muli %scan3A_72, %mul3A_480 : i32
        %add3A_482 = arith.constant 23 : i32
        %add3A_483 = arith.addi %mul3A_481, %add3A_482 : i32
        %get3A_484 = arith.index_cast %add3A_483 : i32 to index
        %get3A_485 = arith.constant 0 : index
        %get3A_486 = tpu.vector_load %arg7[%get3A_484, %get3A_485] {strides = array<i32>} : memref<1600x32xf32, #tpu.memory_space<vmem>>, vector<1x16xf32>,
        %get3A_487 = vector.shape_cast %get3A_486 : vector<1x16xf32> to vector<16xf32>
        %add3A_488 = arith.addf %add3A_470, %get3A_487 : vector<16xf32>
        %mul3A_489 = arith.constant 50 : i32
        %mul3A_490 = arith.muli %scan3A_72, %mul3A_489 : i32
        %add3A_491 = arith.constant 23 : i32
        %add3A_492 = arith.addi %mul3A_490, %add3A_491 : i32
        %get3A_493 = arith.index_cast %add3A_492 : i32 to index
        %get3A_494 = arith.constant 16 : index
        %get3A_495 = tpu.vector_load %arg7[%get3A_493, %get3A_494] {strides = array<i32>} : memref<1600x32xf32, #tpu.memory_space<vmem>>, vector<1x16xf32>,
        %get3A_496 = vector.shape_cast %get3A_495 : vector<1x16xf32> to vector<16xf32>
        %add3A_497 = arith.addf %add3A_479, %get3A_496 : vector<16xf32>
        %mul3A_498 = arith.constant 50 : i32
        %mul3A_499 = arith.muli %scan3A_72, %mul3A_498 : i32
        %add3A_500 = arith.constant 24 : i32
        %add3A_501 = arith.addi %mul3A_499, %add3A_500 : i32
        %get3A_502 = arith.index_cast %add3A_501 : i32 to index
        %get3A_503 = arith.constant 0 : index
        %get3A_504 = tpu.vector_load %arg7[%get3A_502, %get3A_503] {strides = array<i32>} : memref<1600x32xf32, #tpu.memory_space<vmem>>, vector<1x16xf32>,
        %get3A_505 = vector.shape_cast %get3A_504 : vector<1x16xf32> to vector<16xf32>
        %add3A_506 = arith.addf %add3A_488, %get3A_505 : vector<16xf32>
        %mul3A_507 = arith.constant 50 : i32
        %mul3A_508 = arith.muli %scan3A_72, %mul3A_507 : i32
        %add3A_509 = arith.constant 24 : i32
        %add3A_510 = arith.addi %mul3A_508, %add3A_509 : i32
        %get3A_511 = arith.index_cast %add3A_510 : i32 to index
        %get3A_512 = arith.constant 16 : index
        %get3A_513 = tpu.vector_load %arg7[%get3A_511, %get3A_512] {strides = array<i32>} : memref<1600x32xf32, #tpu.memory_space<vmem>>, vector<1x16xf32>,
        %get3A_514 = vector.shape_cast %get3A_513 : vector<1x16xf32> to vector<16xf32>
        %add3A_515 = arith.addf %add3A_497, %get3A_514 : vector<16xf32>
        %mul3A_516 = arith.constant 50 : i32
        %mul3A_517 = arith.muli %scan3A_72, %mul3A_516 : i32
        %add3A_518 = arith.constant 25 : i32
        %add3A_519 = arith.addi %mul3A_517, %add3A_518 : i32
        %get3A_520 = arith.index_cast %add3A_519 : i32 to index
        %get3A_521 = arith.constant 0 : index
        %get3A_522 = tpu.vector_load %arg7[%get3A_520, %get3A_521] {strides = array<i32>} : memref<1600x32xf32, #tpu.memory_space<vmem>>, vector<1x16xf32>,
        %get3A_523 = vector.shape_cast %get3A_522 : vector<1x16xf32> to vector<16xf32>
        %add3A_524 = arith.addf %add3A_506, %get3A_523 : vector<16xf32>
        %mul3A_525 = arith.constant 50 : i32
        %mul3A_526 = arith.muli %scan3A_72, %mul3A_525 : i32
        %add3A_527 = arith.constant 25 : i32
        %add3A_528 = arith.addi %mul3A_526, %add3A_527 : i32
        %get3A_529 = arith.index_cast %add3A_528 : i32 to index
        %get3A_530 = arith.constant 16 : index
        %get3A_531 = tpu.vector_load %arg7[%get3A_529, %get3A_530] {strides = array<i32>} : memref<1600x32xf32, #tpu.memory_space<vmem>>, vector<1x16xf32>,
        %get3A_532 = vector.shape_cast %get3A_531 : vector<1x16xf32> to vector<16xf32>
        %add3A_533 = arith.addf %add3A_515, %get3A_532 : vector<16xf32>
        %mul3A_534 = arith.constant 50 : i32
        %mul3A_535 = arith.muli %scan3A_72, %mul3A_534 : i32
        %add3A_536 = arith.constant 26 : i32
        %add3A_537 = arith.addi %mul3A_535, %add3A_536 : i32
        %get3A_538 = arith.index_cast %add3A_537 : i32 to index
        %get3A_539 = arith.constant 0 : index
        %get3A_540 = tpu.vector_load %arg7[%get3A_538, %get3A_539] {strides = array<i32>} : memref<1600x32xf32, #tpu.memory_space<vmem>>, vector<1x16xf32>,
        %get3A_541 = vector.shape_cast %get3A_540 : vector<1x16xf32> to vector<16xf32>
        %add3A_542 = arith.addf %add3A_524, %get3A_541 : vector<16xf32>
        %mul3A_543 = arith.constant 50 : i32
        %mul3A_544 = arith.muli %scan3A_72, %mul3A_543 : i32
        %add3A_545 = arith.constant 26 : i32
        %add3A_546 = arith.addi %mul3A_544, %add3A_545 : i32
        %get3A_547 = arith.index_cast %add3A_546 : i32 to index
        %get3A_548 = arith.constant 16 : index
        %get3A_549 = tpu.vector_load %arg7[%get3A_547, %get3A_548] {strides = array<i32>} : memref<1600x32xf32, #tpu.memory_space<vmem>>, vector<1x16xf32>,
        %get3A_550 = vector.shape_cast %get3A_549 : vector<1x16xf32> to vector<16xf32>
        %add3A_551 = arith.addf %add3A_533, %get3A_550 : vector<16xf32>
        %mul3A_552 = arith.constant 50 : i32
        %mul3A_553 = arith.muli %scan3A_72, %mul3A_552 : i32
        %add3A_554 = arith.constant 27 : i32
        %add3A_555 = arith.addi %mul3A_553, %add3A_554 : i32
        %get3A_556 = arith.index_cast %add3A_555 : i32 to index
        %get3A_557 = arith.constant 0 : index
        %get3A_558 = tpu.vector_load %arg7[%get3A_556, %get3A_557] {strides = array<i32>} : memref<1600x32xf32, #tpu.memory_space<vmem>>, vector<1x16xf32>,
        %get3A_559 = vector.shape_cast %get3A_558 : vector<1x16xf32> to vector<16xf32>
        %add3A_560 = arith.addf %add3A_542, %get3A_559 : vector<16xf32>
        %mul3A_561 = arith.constant 50 : i32
        %mul3A_562 = arith.muli %scan3A_72, %mul3A_561 : i32
        %add3A_563 = arith.constant 27 : i32
        %add3A_564 = arith.addi %mul3A_562, %add3A_563 : i32
        %get3A_565 = arith.index_cast %add3A_564 : i32 to index
        %get3A_566 = arith.constant 16 : index
        %get3A_567 = tpu.vector_load %arg7[%get3A_565, %get3A_566] {strides = array<i32>} : memref<1600x32xf32, #tpu.memory_space<vmem>>, vector<1x16xf32>,
        %get3A_568 = vector.shape_cast %get3A_567 : vector<1x16xf32> to vector<16xf32>
        %add3A_569 = arith.addf %add3A_551, %get3A_568 : vector<16xf32>
        %mul3A_570 = arith.constant 50 : i32
        %mul3A_571 = arith.muli %scan3A_72, %mul3A_570 : i32
        %add3A_572 = arith.constant 28 : i32
        %add3A_573 = arith.addi %mul3A_571, %add3A_572 : i32
        %get3A_574 = arith.index_cast %add3A_573 : i32 to index
        %get3A_575 = arith.constant 0 : index
        %get3A_576 = tpu.vector_load %arg7[%get3A_574, %get3A_575] {strides = array<i32>} : memref<1600x32xf32, #tpu.memory_space<vmem>>, vector<1x16xf32>,
        %get3A_577 = vector.shape_cast %get3A_576 : vector<1x16xf32> to vector<16xf32>
        %add3A_578 = arith.addf %add3A_560, %get3A_577 : vector<16xf32>
        %mul3A_579 = arith.constant 50 : i32
        %mul3A_580 = arith.muli %scan3A_72, %mul3A_579 : i32
        %add3A_581 = arith.constant 28 : i32
        %add3A_582 = arith.addi %mul3A_580, %add3A_581 : i32
        %get3A_583 = arith.index_cast %add3A_582 : i32 to index
        %get3A_584 = arith.constant 16 : index
        %get3A_585 = tpu.vector_load %arg7[%get3A_583, %get3A_584] {strides = array<i32>} : memref<1600x32xf32, #tpu.memory_space<vmem>>, vector<1x16xf32>,
        %get3A_586 = vector.shape_cast %get3A_585 : vector<1x16xf32> to vector<16xf32>
        %add3A_587 = arith.addf %add3A_569, %get3A_586 : vector<16xf32>
        %mul3A_588 = arith.constant 50 : i32
        %mul3A_589 = arith.muli %scan3A_72, %mul3A_588 : i32
        %add3A_590 = arith.constant 29 : i32
        %add3A_591 = arith.addi %mul3A_589, %add3A_590 : i32
        %get3A_592 = arith.index_cast %add3A_591 : i32 to index
        %get3A_593 = arith.constant 0 : index
        %get3A_594 = tpu.vector_load %arg7[%get3A_592, %get3A_593] {strides = array<i32>} : memref<1600x32xf32, #tpu.memory_space<vmem>>, vector<1x16xf32>,
        %get3A_595 = vector.shape_cast %get3A_594 : vector<1x16xf32> to vector<16xf32>
        %add3A_596 = arith.addf %add3A_578, %get3A_595 : vector<16xf32>
        %mul3A_597 = arith.constant 50 : i32
        %mul3A_598 = arith.muli %scan3A_72, %mul3A_597 : i32
        %add3A_599 = arith.constant 29 : i32
        %add3A_600 = arith.addi %mul3A_598, %add3A_599 : i32
        %get3A_601 = arith.index_cast %add3A_600 : i32 to index
        %get3A_602 = arith.constant 16 : index
        %get3A_603 = tpu.vector_load %arg7[%get3A_601, %get3A_602] {strides = array<i32>} : memref<1600x32xf32, #tpu.memory_space<vmem>>, vector<1x16xf32>,
        %get3A_604 = vector.shape_cast %get3A_603 : vector<1x16xf32> to vector<16xf32>
        %add3A_605 = arith.addf %add3A_587, %get3A_604 : vector<16xf32>
        %mul3A_606 = arith.constant 50 : i32
        %mul3A_607 = arith.muli %scan3A_72, %mul3A_606 : i32
        %add3A_608 = arith.constant 30 : i32
        %add3A_609 = arith.addi %mul3A_607, %add3A_608 : i32
        %get3A_610 = arith.index_cast %add3A_609 : i32 to index
        %get3A_611 = arith.constant 0 : index
        %get3A_612 = tpu.vector_load %arg7[%get3A_610, %get3A_611] {strides = array<i32>} : memref<1600x32xf32, #tpu.memory_space<vmem>>, vector<1x16xf32>,
        %get3A_613 = vector.shape_cast %get3A_612 : vector<1x16xf32> to vector<16xf32>
        %add3A_614 = arith.addf %add3A_596, %get3A_613 : vector<16xf32>
        %mul3A_615 = arith.constant 50 : i32
        %mul3A_616 = arith.muli %scan3A_72, %mul3A_615 : i32
        %add3A_617 = arith.constant 30 : i32
        %add3A_618 = arith.addi %mul3A_616, %add3A_617 : i32
        %get3A_619 = arith.index_cast %add3A_618 : i32 to index
        %get3A_620 = arith.constant 16 : index
        %get3A_621 = tpu.vector_load %arg7[%get3A_619, %get3A_620] {strides = array<i32>} : memref<1600x32xf32, #tpu.memory_space<vmem>>, vector<1x16xf32>,
        %get3A_622 = vector.shape_cast %get3A_621 : vector<1x16xf32> to vector<16xf32>
        %add3A_623 = arith.addf %add3A_605, %get3A_622 : vector<16xf32>
        %mul3A_624 = arith.constant 50 : i32
        %mul3A_625 = arith.muli %scan3A_72, %mul3A_624 : i32
        %add3A_626 = arith.constant 31 : i32
        %add3A_627 = arith.addi %mul3A_625, %add3A_626 : i32
        %get3A_628 = arith.index_cast %add3A_627 : i32 to index
        %get3A_629 = arith.constant 0 : index
        %get3A_630 = tpu.vector_load %arg7[%get3A_628, %get3A_629] {strides = array<i32>} : memref<1600x32xf32, #tpu.memory_space<vmem>>, vector<1x16xf32>,
        %get3A_631 = vector.shape_cast %get3A_630 : vector<1x16xf32> to vector<16xf32>
        %add3A_632 = arith.addf %add3A_614, %get3A_631 : vector<16xf32>
        %mul3A_633 = arith.constant 50 : i32
        %mul3A_634 = arith.muli %scan3A_72, %mul3A_633 : i32
        %add3A_635 = arith.constant 31 : i32
        %add3A_636 = arith.addi %mul3A_634, %add3A_635 : i32
        %get3A_637 = arith.index_cast %add3A_636 : i32 to index
        %get3A_638 = arith.constant 16 : index
        %get3A_639 = tpu.vector_load %arg7[%get3A_637, %get3A_638] {strides = array<i32>} : memref<1600x32xf32, #tpu.memory_space<vmem>>, vector<1x16xf32>,
        %get3A_640 = vector.shape_cast %get3A_639 : vector<1x16xf32> to vector<16xf32>
        %add3A_641 = arith.addf %add3A_623, %get3A_640 : vector<16xf32>
        %mul3A_642 = arith.constant 50 : i32
        %mul3A_643 = arith.muli %scan3A_72, %mul3A_642 : i32
        %add3A_644 = arith.constant 32 : i32
        %add3A_645 = arith.addi %mul3A_643, %add3A_644 : i32
        %get3A_646 = arith.index_cast %add3A_645 : i32 to index
        %get3A_647 = arith.constant 0 : index
        %get3A_648 = tpu.vector_load %arg7[%get3A_646, %get3A_647] {strides = array<i32>} : memref<1600x32xf32, #tpu.memory_space<vmem>>, vector<1x16xf32>,
        %get3A_649 = vector.shape_cast %get3A_648 : vector<1x16xf32> to vector<16xf32>
        %add3A_650 = arith.addf %add3A_632, %get3A_649 : vector<16xf32>
        %mul3A_651 = arith.constant 50 : i32
        %mul3A_652 = arith.muli %scan3A_72, %mul3A_651 : i32
        %add3A_653 = arith.constant 32 : i32
        %add3A_654 = arith.addi %mul3A_652, %add3A_653 : i32
        %get3A_655 = arith.index_cast %add3A_654 : i32 to index
        %get3A_656 = arith.constant 16 : index
        %get3A_657 = tpu.vector_load %arg7[%get3A_655, %get3A_656] {strides = array<i32>} : memref<1600x32xf32, #tpu.memory_space<vmem>>, vector<1x16xf32>,
        %get3A_658 = vector.shape_cast %get3A_657 : vector<1x16xf32> to vector<16xf32>
        %add3A_659 = arith.addf %add3A_641, %get3A_658 : vector<16xf32>
        %mul3A_660 = arith.constant 50 : i32
        %mul3A_661 = arith.muli %scan3A_72, %mul3A_660 : i32
        %add3A_662 = arith.constant 33 : i32
        %add3A_663 = arith.addi %mul3A_661, %add3A_662 : i32
        %get3A_664 = arith.index_cast %add3A_663 : i32 to index
        %get3A_665 = arith.constant 0 : index
        %get3A_666 = tpu.vector_load %arg7[%get3A_664, %get3A_665] {strides = array<i32>} : memref<1600x32xf32, #tpu.memory_space<vmem>>, vector<1x16xf32>,
        %get3A_667 = vector.shape_cast %get3A_666 : vector<1x16xf32> to vector<16xf32>
        %add3A_668 = arith.addf %add3A_650, %get3A_667 : vector<16xf32>
        %mul3A_669 = arith.constant 50 : i32
        %mul3A_670 = arith.muli %scan3A_72, %mul3A_669 : i32
        %add3A_671 = arith.constant 33 : i32
        %add3A_672 = arith.addi %mul3A_670, %add3A_671 : i32
        %get3A_673 = arith.index_cast %add3A_672 : i32 to index
        %get3A_674 = arith.constant 16 : index
        %get3A_675 = tpu.vector_load %arg7[%get3A_673, %get3A_674] {strides = array<i32>} : memref<1600x32xf32, #tpu.memory_space<vmem>>, vector<1x16xf32>,
        %get3A_676 = vector.shape_cast %get3A_675 : vector<1x16xf32> to vector<16xf32>
        %add3A_677 = arith.addf %add3A_659, %get3A_676 : vector<16xf32>
        %mul3A_678 = arith.constant 50 : i32
        %mul3A_679 = arith.muli %scan3A_72, %mul3A_678 : i32
        %add3A_680 = arith.constant 34 : i32
        %add3A_681 = arith.addi %mul3A_679, %add3A_680 : i32
        %get3A_682 = arith.index_cast %add3A_681 : i32 to index
        %get3A_683 = arith.constant 0 : index
        %get3A_684 = tpu.vector_load %arg7[%get3A_682, %get3A_683] {strides = array<i32>} : memref<1600x32xf32, #tpu.memory_space<vmem>>, vector<1x16xf32>,
        %get3A_685 = vector.shape_cast %get3A_684 : vector<1x16xf32> to vector<16xf32>
        %add3A_686 = arith.addf %add3A_668, %get3A_685 : vector<16xf32>
        %mul3A_687 = arith.constant 50 : i32
        %mul3A_688 = arith.muli %scan3A_72, %mul3A_687 : i32
        %add3A_689 = arith.constant 34 : i32
        %add3A_690 = arith.addi %mul3A_688, %add3A_689 : i32
        %get3A_691 = arith.index_cast %add3A_690 : i32 to index
        %get3A_692 = arith.constant 16 : index
        %get3A_693 = tpu.vector_load %arg7[%get3A_691, %get3A_692] {strides = array<i32>} : memref<1600x32xf32, #tpu.memory_space<vmem>>, vector<1x16xf32>,
        %get3A_694 = vector.shape_cast %get3A_693 : vector<1x16xf32> to vector<16xf32>
        %add3A_695 = arith.addf %add3A_677, %get3A_694 : vector<16xf32>
        %mul3A_696 = arith.constant 50 : i32
        %mul3A_697 = arith.muli %scan3A_72, %mul3A_696 : i32
        %add3A_698 = arith.constant 35 : i32
        %add3A_699 = arith.addi %mul3A_697, %add3A_698 : i32
        %get3A_700 = arith.index_cast %add3A_699 : i32 to index
        %get3A_701 = arith.constant 0 : index
        %get3A_702 = tpu.vector_load %arg7[%get3A_700, %get3A_701] {strides = array<i32>} : memref<1600x32xf32, #tpu.memory_space<vmem>>, vector<1x16xf32>,
        %get3A_703 = vector.shape_cast %get3A_702 : vector<1x16xf32> to vector<16xf32>
        %add3A_704 = arith.addf %add3A_686, %get3A_703 : vector<16xf32>
        %mul3A_705 = arith.constant 50 : i32
        %mul3A_706 = arith.muli %scan3A_72, %mul3A_705 : i32
        %add3A_707 = arith.constant 35 : i32
        %add3A_708 = arith.addi %mul3A_706, %add3A_707 : i32
        %get3A_709 = arith.index_cast %add3A_708 : i32 to index
        %get3A_710 = arith.constant 16 : index
        %get3A_711 = tpu.vector_load %arg7[%get3A_709, %get3A_710] {strides = array<i32>} : memref<1600x32xf32, #tpu.memory_space<vmem>>, vector<1x16xf32>,
        %get3A_712 = vector.shape_cast %get3A_711 : vector<1x16xf32> to vector<16xf32>
        %add3A_713 = arith.addf %add3A_695, %get3A_712 : vector<16xf32>
        %mul3A_714 = arith.constant 50 : i32
        %mul3A_715 = arith.muli %scan3A_72, %mul3A_714 : i32
        %add3A_716 = arith.constant 36 : i32
        %add3A_717 = arith.addi %mul3A_715, %add3A_716 : i32
        %get3A_718 = arith.index_cast %add3A_717 : i32 to index
        %get3A_719 = arith.constant 0 : index
        %get3A_720 = tpu.vector_load %arg7[%get3A_718, %get3A_719] {strides = array<i32>} : memref<1600x32xf32, #tpu.memory_space<vmem>>, vector<1x16xf32>,
        %get3A_721 = vector.shape_cast %get3A_720 : vector<1x16xf32> to vector<16xf32>
        %add3A_722 = arith.addf %add3A_704, %get3A_721 : vector<16xf32>
        %mul3A_723 = arith.constant 50 : i32
        %mul3A_724 = arith.muli %scan3A_72, %mul3A_723 : i32
        %add3A_725 = arith.constant 36 : i32
        %add3A_726 = arith.addi %mul3A_724, %add3A_725 : i32
        %get3A_727 = arith.index_cast %add3A_726 : i32 to index
        %get3A_728 = arith.constant 16 : index
        %get3A_729 = tpu.vector_load %arg7[%get3A_727, %get3A_728] {strides = array<i32>} : memref<1600x32xf32, #tpu.memory_space<vmem>>, vector<1x16xf32>,
        %get3A_730 = vector.shape_cast %get3A_729 : vector<1x16xf32> to vector<16xf32>
        %add3A_731 = arith.addf %add3A_713, %get3A_730 : vector<16xf32>
        %mul3A_732 = arith.constant 50 : i32
        %mul3A_733 = arith.muli %scan3A_72, %mul3A_732 : i32
        %add3A_734 = arith.constant 37 : i32
        %add3A_735 = arith.addi %mul3A_733, %add3A_734 : i32
        %get3A_736 = arith.index_cast %add3A_735 : i32 to index
        %get3A_737 = arith.constant 0 : index
        %get3A_738 = tpu.vector_load %arg7[%get3A_736, %get3A_737] {strides = array<i32>} : memref<1600x32xf32, #tpu.memory_space<vmem>>, vector<1x16xf32>,
        %get3A_739 = vector.shape_cast %get3A_738 : vector<1x16xf32> to vector<16xf32>
        %add3A_740 = arith.addf %add3A_722, %get3A_739 : vector<16xf32>
        %mul3A_741 = arith.constant 50 : i32
        %mul3A_742 = arith.muli %scan3A_72, %mul3A_741 : i32
        %add3A_743 = arith.constant 37 : i32
        %add3A_744 = arith.addi %mul3A_742, %add3A_743 : i32
        %get3A_745 = arith.index_cast %add3A_744 : i32 to index
        %get3A_746 = arith.constant 16 : index
        %get3A_747 = tpu.vector_load %arg7[%get3A_745, %get3A_746] {strides = array<i32>} : memref<1600x32xf32, #tpu.memory_space<vmem>>, vector<1x16xf32>,
        %get3A_748 = vector.shape_cast %get3A_747 : vector<1x16xf32> to vector<16xf32>
        %add3A_749 = arith.addf %add3A_731, %get3A_748 : vector<16xf32>
        %mul3A_750 = arith.constant 50 : i32
        %mul3A_751 = arith.muli %scan3A_72, %mul3A_750 : i32
        %add3A_752 = arith.constant 38 : i32
        %add3A_753 = arith.addi %mul3A_751, %add3A_752 : i32
        %get3A_754 = arith.index_cast %add3A_753 : i32 to index
        %get3A_755 = arith.constant 0 : index
        %get3A_756 = tpu.vector_load %arg7[%get3A_754, %get3A_755] {strides = array<i32>} : memref<1600x32xf32, #tpu.memory_space<vmem>>, vector<1x16xf32>,
        %get3A_757 = vector.shape_cast %get3A_756 : vector<1x16xf32> to vector<16xf32>
        %add3A_758 = arith.addf %add3A_740, %get3A_757 : vector<16xf32>
        %mul3A_759 = arith.constant 50 : i32
        %mul3A_760 = arith.muli %scan3A_72, %mul3A_759 : i32
        %add3A_761 = arith.constant 38 : i32
        %add3A_762 = arith.addi %mul3A_760, %add3A_761 : i32
        %get3A_763 = arith.index_cast %add3A_762 : i32 to index
        %get3A_764 = arith.constant 16 : index
        %get3A_765 = tpu.vector_load %arg7[%get3A_763, %get3A_764] {strides = array<i32>} : memref<1600x32xf32, #tpu.memory_space<vmem>>, vector<1x16xf32>,
        %get3A_766 = vector.shape_cast %get3A_765 : vector<1x16xf32> to vector<16xf32>
        %add3A_767 = arith.addf %add3A_749, %get3A_766 : vector<16xf32>
        %mul3A_768 = arith.constant 50 : i32
        %mul3A_769 = arith.muli %scan3A_72, %mul3A_768 : i32
        %add3A_770 = arith.constant 39 : i32
        %add3A_771 = arith.addi %mul3A_769, %add3A_770 : i32
        %get3A_772 = arith.index_cast %add3A_771 : i32 to index
        %get3A_773 = arith.constant 0 : index
        %get3A_774 = tpu.vector_load %arg7[%get3A_772, %get3A_773] {strides = array<i32>} : memref<1600x32xf32, #tpu.memory_space<vmem>>, vector<1x16xf32>,
        %get3A_775 = vector.shape_cast %get3A_774 : vector<1x16xf32> to vector<16xf32>
        %add3A_776 = arith.addf %add3A_758, %get3A_775 : vector<16xf32>
        %mul3A_777 = arith.constant 50 : i32
        %mul3A_778 = arith.muli %scan3A_72, %mul3A_777 : i32
        %add3A_779 = arith.constant 39 : i32
        %add3A_780 = arith.addi %mul3A_778, %add3A_779 : i32
        %get3A_781 = arith.index_cast %add3A_780 : i32 to index
        %get3A_782 = arith.constant 16 : index
        %get3A_783 = tpu.vector_load %arg7[%get3A_781, %get3A_782] {strides = array<i32>} : memref<1600x32xf32, #tpu.memory_space<vmem>>, vector<1x16xf32>,
        %get3A_784 = vector.shape_cast %get3A_783 : vector<1x16xf32> to vector<16xf32>
        %add3A_785 = arith.addf %add3A_767, %get3A_784 : vector<16xf32>
        %mul3A_786 = arith.constant 50 : i32
        %mul3A_787 = arith.muli %scan3A_72, %mul3A_786 : i32
        %add3A_788 = arith.constant 40 : i32
        %add3A_789 = arith.addi %mul3A_787, %add3A_788 : i32
        %get3A_790 = arith.index_cast %add3A_789 : i32 to index
        %get3A_791 = arith.constant 0 : index
        %get3A_792 = tpu.vector_load %arg7[%get3A_790, %get3A_791] {strides = array<i32>} : memref<1600x32xf32, #tpu.memory_space<vmem>>, vector<1x16xf32>,
        %get3A_793 = vector.shape_cast %get3A_792 : vector<1x16xf32> to vector<16xf32>
        %add3A_794 = arith.addf %add3A_776, %get3A_793 : vector<16xf32>
        %mul3A_795 = arith.constant 50 : i32
        %mul3A_796 = arith.muli %scan3A_72, %mul3A_795 : i32
        %add3A_797 = arith.constant 40 : i32
        %add3A_798 = arith.addi %mul3A_796, %add3A_797 : i32
        %get3A_799 = arith.index_cast %add3A_798 : i32 to index
        %get3A_800 = arith.constant 16 : index
        %get3A_801 = tpu.vector_load %arg7[%get3A_799, %get3A_800] {strides = array<i32>} : memref<1600x32xf32, #tpu.memory_space<vmem>>, vector<1x16xf32>,
        %get3A_802 = vector.shape_cast %get3A_801 : vector<1x16xf32> to vector<16xf32>
        %add3A_803 = arith.addf %add3A_785, %get3A_802 : vector<16xf32>
        %mul3A_804 = arith.constant 50 : i32
        %mul3A_805 = arith.muli %scan3A_72, %mul3A_804 : i32
        %add3A_806 = arith.constant 41 : i32
        %add3A_807 = arith.addi %mul3A_805, %add3A_806 : i32
        %get3A_808 = arith.index_cast %add3A_807 : i32 to index
        %get3A_809 = arith.constant 0 : index
        %get3A_810 = tpu.vector_load %arg7[%get3A_808, %get3A_809] {strides = array<i32>} : memref<1600x32xf32, #tpu.memory_space<vmem>>, vector<1x16xf32>,
        %get3A_811 = vector.shape_cast %get3A_810 : vector<1x16xf32> to vector<16xf32>
        %add3A_812 = arith.addf %add3A_794, %get3A_811 : vector<16xf32>
        %mul3A_813 = arith.constant 50 : i32
        %mul3A_814 = arith.muli %scan3A_72, %mul3A_813 : i32
        %add3A_815 = arith.constant 41 : i32
        %add3A_816 = arith.addi %mul3A_814, %add3A_815 : i32
        %get3A_817 = arith.index_cast %add3A_816 : i32 to index
        %get3A_818 = arith.constant 16 : index
        %get3A_819 = tpu.vector_load %arg7[%get3A_817, %get3A_818] {strides = array<i32>} : memref<1600x32xf32, #tpu.memory_space<vmem>>, vector<1x16xf32>,
        %get3A_820 = vector.shape_cast %get3A_819 : vector<1x16xf32> to vector<16xf32>
        %add3A_821 = arith.addf %add3A_803, %get3A_820 : vector<16xf32>
        %mul3A_822 = arith.constant 50 : i32
        %mul3A_823 = arith.muli %scan3A_72, %mul3A_822 : i32
        %add3A_824 = arith.constant 42 : i32
        %add3A_825 = arith.addi %mul3A_823, %add3A_824 : i32
        %get3A_826 = arith.index_cast %add3A_825 : i32 to index
        %get3A_827 = arith.constant 0 : index
        %get3A_828 = tpu.vector_load %arg7[%get3A_826, %get3A_827] {strides = array<i32>} : memref<1600x32xf32, #tpu.memory_space<vmem>>, vector<1x16xf32>,
        %get3A_829 = vector.shape_cast %get3A_828 : vector<1x16xf32> to vector<16xf32>
        %add3A_830 = arith.addf %add3A_812, %get3A_829 : vector<16xf32>
        %mul3A_831 = arith.constant 50 : i32
        %mul3A_832 = arith.muli %scan3A_72, %mul3A_831 : i32
        %add3A_833 = arith.constant 42 : i32
        %add3A_834 = arith.addi %mul3A_832, %add3A_833 : i32
        %get3A_835 = arith.index_cast %add3A_834 : i32 to index
        %get3A_836 = arith.constant 16 : index
        %get3A_837 = tpu.vector_load %arg7[%get3A_835, %get3A_836] {strides = array<i32>} : memref<1600x32xf32, #tpu.memory_space<vmem>>, vector<1x16xf32>,
        %get3A_838 = vector.shape_cast %get3A_837 : vector<1x16xf32> to vector<16xf32>
        %add3A_839 = arith.addf %add3A_821, %get3A_838 : vector<16xf32>
        %mul3A_840 = arith.constant 50 : i32
        %mul3A_841 = arith.muli %scan3A_72, %mul3A_840 : i32
        %add3A_842 = arith.constant 43 : i32
        %add3A_843 = arith.addi %mul3A_841, %add3A_842 : i32
        %get3A_844 = arith.index_cast %add3A_843 : i32 to index
        %get3A_845 = arith.constant 0 : index
        %get3A_846 = tpu.vector_load %arg7[%get3A_844, %get3A_845] {strides = array<i32>} : memref<1600x32xf32, #tpu.memory_space<vmem>>, vector<1x16xf32>,
        %get3A_847 = vector.shape_cast %get3A_846 : vector<1x16xf32> to vector<16xf32>
        %add3A_848 = arith.addf %add3A_830, %get3A_847 : vector<16xf32>
        %mul3A_849 = arith.constant 50 : i32
        %mul3A_850 = arith.muli %scan3A_72, %mul3A_849 : i32
        %add3A_851 = arith.constant 43 : i32
        %add3A_852 = arith.addi %mul3A_850, %add3A_851 : i32
        %get3A_853 = arith.index_cast %add3A_852 : i32 to index
        %get3A_854 = arith.constant 16 : index
        %get3A_855 = tpu.vector_load %arg7[%get3A_853, %get3A_854] {strides = array<i32>} : memref<1600x32xf32, #tpu.memory_space<vmem>>, vector<1x16xf32>,
        %get3A_856 = vector.shape_cast %get3A_855 : vector<1x16xf32> to vector<16xf32>
        %add3A_857 = arith.addf %add3A_839, %get3A_856 : vector<16xf32>
        %mul3A_858 = arith.constant 50 : i32
        %mul3A_859 = arith.muli %scan3A_72, %mul3A_858 : i32
        %add3A_860 = arith.constant 44 : i32
        %add3A_861 = arith.addi %mul3A_859, %add3A_860 : i32
        %get3A_862 = arith.index_cast %add3A_861 : i32 to index
        %get3A_863 = arith.constant 0 : index
        %get3A_864 = tpu.vector_load %arg7[%get3A_862, %get3A_863] {strides = array<i32>} : memref<1600x32xf32, #tpu.memory_space<vmem>>, vector<1x16xf32>,
        %get3A_865 = vector.shape_cast %get3A_864 : vector<1x16xf32> to vector<16xf32>
        %add3A_866 = arith.addf %add3A_848, %get3A_865 : vector<16xf32>
        %mul3A_867 = arith.constant 50 : i32
        %mul3A_868 = arith.muli %scan3A_72, %mul3A_867 : i32
        %add3A_869 = arith.constant 44 : i32
        %add3A_870 = arith.addi %mul3A_868, %add3A_869 : i32
        %get3A_871 = arith.index_cast %add3A_870 : i32 to index
        %get3A_872 = arith.constant 16 : index
        %get3A_873 = tpu.vector_load %arg7[%get3A_871, %get3A_872] {strides = array<i32>} : memref<1600x32xf32, #tpu.memory_space<vmem>>, vector<1x16xf32>,
        %get3A_874 = vector.shape_cast %get3A_873 : vector<1x16xf32> to vector<16xf32>
        %add3A_875 = arith.addf %add3A_857, %get3A_874 : vector<16xf32>
        %mul3A_876 = arith.constant 50 : i32
        %mul3A_877 = arith.muli %scan3A_72, %mul3A_876 : i32
        %add3A_878 = arith.constant 45 : i32
        %add3A_879 = arith.addi %mul3A_877, %add3A_878 : i32
        %get3A_880 = arith.index_cast %add3A_879 : i32 to index
        %get3A_881 = arith.constant 0 : index
        %get3A_882 = tpu.vector_load %arg7[%get3A_880, %get3A_881] {strides = array<i32>} : memref<1600x32xf32, #tpu.memory_space<vmem>>, vector<1x16xf32>,
        %get3A_883 = vector.shape_cast %get3A_882 : vector<1x16xf32> to vector<16xf32>
        %add3A_884 = arith.addf %add3A_866, %get3A_883 : vector<16xf32>
        %mul3A_885 = arith.constant 50 : i32
        %mul3A_886 = arith.muli %scan3A_72, %mul3A_885 : i32
        %add3A_887 = arith.constant 45 : i32
        %add3A_888 = arith.addi %mul3A_886, %add3A_887 : i32
        %get3A_889 = arith.index_cast %add3A_888 : i32 to index
        %get3A_890 = arith.constant 16 : index
        %get3A_891 = tpu.vector_load %arg7[%get3A_889, %get3A_890] {strides = array<i32>} : memref<1600x32xf32, #tpu.memory_space<vmem>>, vector<1x16xf32>,
        %get3A_892 = vector.shape_cast %get3A_891 : vector<1x16xf32> to vector<16xf32>
        %add3A_893 = arith.addf %add3A_875, %get3A_892 : vector<16xf32>
        %mul3A_894 = arith.constant 50 : i32
        %mul3A_895 = arith.muli %scan3A_72, %mul3A_894 : i32
        %add3A_896 = arith.constant 46 : i32
        %add3A_897 = arith.addi %mul3A_895, %add3A_896 : i32
        %get3A_898 = arith.index_cast %add3A_897 : i32 to index
        %get3A_899 = arith.constant 0 : index
        %get3A_900 = tpu.vector_load %arg7[%get3A_898, %get3A_899] {strides = array<i32>} : memref<1600x32xf32, #tpu.memory_space<vmem>>, vector<1x16xf32>,
        %get3A_901 = vector.shape_cast %get3A_900 : vector<1x16xf32> to vector<16xf32>
        %add3A_902 = arith.addf %add3A_884, %get3A_901 : vector<16xf32>
        %mul3A_903 = arith.constant 50 : i32
        %mul3A_904 = arith.muli %scan3A_72, %mul3A_903 : i32
        %add3A_905 = arith.constant 46 : i32
        %add3A_906 = arith.addi %mul3A_904, %add3A_905 : i32
        %get3A_907 = arith.index_cast %add3A_906 : i32 to index
        %get3A_908 = arith.constant 16 : index
        %get3A_909 = tpu.vector_load %arg7[%get3A_907, %get3A_908] {strides = array<i32>} : memref<1600x32xf32, #tpu.memory_space<vmem>>, vector<1x16xf32>,
        %get3A_910 = vector.shape_cast %get3A_909 : vector<1x16xf32> to vector<16xf32>
        %add3A_911 = arith.addf %add3A_893, %get3A_910 : vector<16xf32>
        %mul3A_912 = arith.constant 50 : i32
        %mul3A_913 = arith.muli %scan3A_72, %mul3A_912 : i32
        %add3A_914 = arith.constant 47 : i32
        %add3A_915 = arith.addi %mul3A_913, %add3A_914 : i32
        %get3A_916 = arith.index_cast %add3A_915 : i32 to index
        %get3A_917 = arith.constant 0 : index
        %get3A_918 = tpu.vector_load %arg7[%get3A_916, %get3A_917] {strides = array<i32>} : memref<1600x32xf32, #tpu.memory_space<vmem>>, vector<1x16xf32>,
        %get3A_919 = vector.shape_cast %get3A_918 : vector<1x16xf32> to vector<16xf32>
        %add3A_920 = arith.addf %add3A_902, %get3A_919 : vector<16xf32>
        %mul3A_921 = arith.constant 50 : i32
        %mul3A_922 = arith.muli %scan3A_72, %mul3A_921 : i32
        %add3A_923 = arith.constant 47 : i32
        %add3A_924 = arith.addi %mul3A_922, %add3A_923 : i32
        %get3A_925 = arith.index_cast %add3A_924 : i32 to index
        %get3A_926 = arith.constant 16 : index
        %get3A_927 = tpu.vector_load %arg7[%get3A_925, %get3A_926] {strides = array<i32>} : memref<1600x32xf32, #tpu.memory_space<vmem>>, vector<1x16xf32>,
        %get3A_928 = vector.shape_cast %get3A_927 : vector<1x16xf32> to vector<16xf32>
        %add3A_929 = arith.addf %add3A_911, %get3A_928 : vector<16xf32>
        %mul3A_930 = arith.constant 50 : i32
        %mul3A_931 = arith.muli %scan3A_72, %mul3A_930 : i32
        %add3A_932 = arith.constant 48 : i32
        %add3A_933 = arith.addi %mul3A_931, %add3A_932 : i32
        %get3A_934 = arith.index_cast %add3A_933 : i32 to index
        %get3A_935 = arith.constant 0 : index
        %get3A_936 = tpu.vector_load %arg7[%get3A_934, %get3A_935] {strides = array<i32>} : memref<1600x32xf32, #tpu.memory_space<vmem>>, vector<1x16xf32>,
        %get3A_937 = vector.shape_cast %get3A_936 : vector<1x16xf32> to vector<16xf32>
        %add3A_938 = arith.addf %add3A_920, %get3A_937 : vector<16xf32>
        %mul3A_939 = arith.constant 50 : i32
        %mul3A_940 = arith.muli %scan3A_72, %mul3A_939 : i32
        %add3A_941 = arith.constant 48 : i32
        %add3A_942 = arith.addi %mul3A_940, %add3A_941 : i32
        %get3A_943 = arith.index_cast %add3A_942 : i32 to index
        %get3A_944 = arith.constant 16 : index
        %get3A_945 = tpu.vector_load %arg7[%get3A_943, %get3A_944] {strides = array<i32>} : memref<1600x32xf32, #tpu.memory_space<vmem>>, vector<1x16xf32>,
        %get3A_946 = vector.shape_cast %get3A_945 : vector<1x16xf32> to vector<16xf32>
        %add3A_947 = arith.addf %add3A_929, %get3A_946 : vector<16xf32>
        %mul3A_948 = arith.constant 50 : i32
        %mul3A_949 = arith.muli %scan3A_72, %mul3A_948 : i32
        %add3A_950 = arith.constant 49 : i32
        %add3A_951 = arith.addi %mul3A_949, %add3A_950 : i32
        %get3A_952 = arith.index_cast %add3A_951 : i32 to index
        %get3A_953 = arith.constant 0 : index
        %get3A_954 = tpu.vector_load %arg7[%get3A_952, %get3A_953] {strides = array<i32>} : memref<1600x32xf32, #tpu.memory_space<vmem>>, vector<1x16xf32>,
        %get3A_955 = vector.shape_cast %get3A_954 : vector<1x16xf32> to vector<16xf32>
        %add3A_956 = arith.addf %add3A_938, %get3A_955 : vector<16xf32>
        %mul3A_957 = arith.constant 50 : i32
        %mul3A_958 = arith.muli %scan3A_72, %mul3A_957 : i32
        %add3A_959 = arith.constant 49 : i32
        %add3A_960 = arith.addi %mul3A_958, %add3A_959 : i32
        %get3A_961 = arith.index_cast %add3A_960 : i32 to index
        %get3A_962 = arith.constant 16 : index
        %get3A_963 = tpu.vector_load %arg7[%get3A_961, %get3A_962] {strides = array<i32>} : memref<1600x32xf32, #tpu.memory_space<vmem>>, vector<1x16xf32>,
        %get3A_964 = vector.shape_cast %get3A_963 : vector<1x16xf32> to vector<16xf32>
        %add3A_965 = arith.addf %add3A_947, %get3A_964 : vector<16xf32>
        %mul3A_966 = arith.constant 2.000000e-02 : f32
        %mul3A_967 = vector.broadcast %mul3A_966 : f32 to vector<16xf32>
        %mul3A_968 = arith.mulf %add3A_956, %mul3A_967 : vector<16xf32>
        %swap3A = arith.index_cast %scan3A_72 : i32 to index
        %swap3A_969 = arith.constant 0 : index
        %swap3A_970 = tpu.vector_load %arg9[%swap3A, %swap3A_969] {strides = array<i32>} : memref<32x32xf32, #tpu.memory_space<vmem>>, vector<1x16xf32>,
        %swap3A_971 = vector.shape_cast %swap3A_970 : vector<1x16xf32> to vector<16xf32>
        %swap3A_972 = vector.shape_cast %mul3A_968 : vector<16xf32> to vector<1x16xf32>
        tpu.vector_store %arg9[%swap3A, %swap3A_969], %swap3A_972 {strides = array<i32>} : memref<32x32xf32, #tpu.memory_space<vmem>>, vector<1x16xf32>,
        %mul3A_973 = arith.constant 2.000000e-02 : f32
        %mul3A_974 = vector.broadcast %mul3A_973 : f32 to vector<16xf32>
        %mul3A_975 = arith.mulf %add3A_965, %mul3A_974 : vector<16xf32>
        %swap3A_976 = arith.index_cast %scan3A_72 : i32 to index
        %swap3A_977 = arith.constant 16 : index
        %swap3A_978 = tpu.vector_load %arg9[%swap3A_976, %swap3A_977] {strides = array<i32>} : memref<32x32xf32, #tpu.memory_space<vmem>>, vector<1x16xf32>,
        %swap3A_979 = vector.shape_cast %swap3A_978 : vector<1x16xf32> to vector<16xf32>
        %swap3A_980 = vector.shape_cast %mul3A_975 : vector<16xf32> to vector<1x16xf32>
        tpu.vector_store %arg9[%swap3A_976, %swap3A_977], %swap3A_980 {strides = array<i32>} : memref<32x32xf32, #tpu.memory_space<vmem>>, vector<1x16xf32>,
      }
      %scan3A_35 = arith.constant 32 : i32
      %mul3A_36 = arith.constant 512 : i32
      %mul3A_37 = arith.muli %add3A, %mul3A_36 : i32
      %mul3A_38 = arith.constant 32 : i32
      %mul3A_39 = arith.muli %add3A_27, %mul3A_38 : i32
      %add3A_40 = arith.addi %mul3A_37, %mul3A_39 : i32
      "tpu.region"() ({
        %run_scoped3A = tpu.sem_alloc : memref<!tpu.dma_semaphore, #tpu.memory_space<semaphore_mem>>
        %dma_start3A_72 = arith.constant 0 : i32
        %dma_start3A_73 = tpu.memref_slice %arg4[%add3A_40, %dma_start3A_72] : memref<16384x32xf32, #tpu.memory_space<hbm>> -> memref<32x32xf32, #tpu.memory_space<hbm>>
        %dma_start3A_74 = arith.constant 0 : i32
        %dma_start3A_75 = tpu.memref_slice %arg4[%add3A_40, %dma_start3A_74] : memref<16384x32xf32, #tpu.memory_space<hbm>> -> memref<32x32xf32, #tpu.memory_space<hbm>>
        tpu.enqueue_dma source(%arg9 : memref<32x32xf32, #tpu.memory_space<vmem>>) target(%dma_start3A_75 : memref<32x32xf32, #tpu.memory_space<hbm>>) target_semaphore(%run_scoped3A : memref<!tpu.dma_semaphore, #tpu.memory_space<semaphore_mem>>)
        %dma_wait3A_76 = arith.constant 0 : i32
        %dma_wait3A_77 = tpu.memref_slice %arg4[%add3A_40, %dma_wait3A_76] : memref<16384x32xf32, #tpu.memory_space<hbm>> -> memref<32x32xf32, #tpu.memory_space<hbm>>
        %dma_wait3A_78 = arith.constant 0 : i32
        %dma_wait3A_79 = tpu.memref_slice %arg4[%add3A_40, %dma_wait3A_78] : memref<16384x32xf32, #tpu.memory_space<hbm>> -> memref<32x32xf32, #tpu.memory_space<hbm>>
        tpu.wait_dma2 semaphore(%run_scoped3A : memref<!tpu.dma_semaphore, #tpu.memory_space<semaphore_mem>>) src(%arg9 : memref<32x32xf32, #tpu.memory_space<vmem>>) dst(%dma_wait3A_79 : memref<32x32xf32, #tpu.memory_space<hbm>>)
        tpu.yield
      }) : () -> ()
      %add3A_41 = arith.constant 0 : i32
      %add3A_42 = arith.addi %mul3A_25, %add3A_41 : i32
      %add3A_43 = arith.constant 2 : i32
      %add3A_44 = arith.addi %add3A_42, %add3A_43 : i32
      %lt3A = arith.constant 16 : i32
      %lt3A_45 = arith.cmpi slt, %add3A_44, %lt3A : i32
      %convert_element_type3A = arith.extui %lt3A_45 : i1 to i32
      %cond3A = arith.constant 0 : i32
      %cond3A_46 = arith.cmpi ne, %convert_element_type3A, %cond3A : i32
      scf.if %cond3A_46 {
        %add3A_72 = arith.constant 0 : i32
        %add3A_73 = arith.addi %mul3A_25, %add3A_72 : i32
        %add3A_74 = arith.constant 2 : i32
        %add3A_75 = arith.addi %add3A_73, %add3A_74 : i32
        %mul3A_76 = arith.constant 512 : i32
        %mul3A_77 = arith.muli %add3A, %mul3A_76 : i32
        %mul3A_78 = arith.constant 32 : i32
        %mul3A_79 = arith.muli %add3A_75, %mul3A_78 : i32
        %add3A_80 = arith.addi %mul3A_77, %mul3A_79 : i32
        %mul3A_81 = arith.constant 50 : i32
        %mul3A_82 = arith.muli %add3A_80, %mul3A_81 : i32
        "tpu.region"() ({
          %run_scoped3A = tpu.sem_alloc : memref<!tpu.dma_semaphore, #tpu.memory_space<semaphore_mem>>
          %dma_start3A_86 = tpu.memref_slice %arg2[%mul3A_82] : memref<819200xi32, #tpu.memory_space<hbm>> -> memref<1600xi32, #tpu.memory_space<hbm>>
          %dma_start3A_87 = tpu.memref_slice %arg2[%mul3A_82] : memref<819200xi32, #tpu.memory_space<hbm>> -> memref<1600xi32, #tpu.memory_space<hbm>>
          tpu.enqueue_dma source(%dma_start3A_87 : memref<1600xi32, #tpu.memory_space<hbm>>) target(%arg5 : memref<1600xi32, #tpu.memory_space<vmem>>) target_semaphore(%run_scoped3A : memref<!tpu.dma_semaphore, #tpu.memory_space<semaphore_mem>>)
          %dma_wait3A_88 = tpu.memref_slice %arg2[%mul3A_82] : memref<819200xi32, #tpu.memory_space<hbm>> -> memref<1600xi32, #tpu.memory_space<hbm>>
          %dma_wait3A_89 = tpu.memref_slice %arg2[%mul3A_82] : memref<819200xi32, #tpu.memory_space<hbm>> -> memref<1600xi32, #tpu.memory_space<hbm>>
          tpu.wait_dma2 semaphore(%run_scoped3A : memref<!tpu.dma_semaphore, #tpu.memory_space<semaphore_mem>>) src(%dma_wait3A_89 : memref<1600xi32, #tpu.memory_space<hbm>>) dst(%arg5 : memref<1600xi32, #tpu.memory_space<vmem>>)
          tpu.yield
        }) : () -> ()
        %dma_start3A_83 = arith.constant 0 : i32
        %dma_start3A_84 = arith.constant 0 : i32
        %dma_start3A_85 = tpu.memref_slice %arg3[%dma_start3A_83, %dma_start3A_84] : memref<1048576x32xf32, #tpu.memory_space<hbm>> -> memref<1048576x32xf32, #tpu.memory_space<hbm>>
        tpu.enqueue_indirect_dma source(%dma_start3A_85 : memref<1048576x32xf32, #tpu.memory_space<hbm>>) target(%arg7 : memref<1600x32xf32, #tpu.memory_space<vmem>>) offsets(%arg5 : memref<1600xi32, #tpu.memory_space<vmem>>) semaphore(%arg11 : memref<!tpu.dma_semaphore, #tpu.memory_space<semaphore_mem>>)
      } else {
      }
      %add3A_47 = arith.constant 1 : i32
      %add3A_48 = arith.addi %mul3A_25, %add3A_47 : i32
      %dma_wait3A_49 = arith.constant 0 : i32
      %dma_wait3A_50 = arith.constant 0 : i32
      %dma_wait3A_51 = tpu.memref_slice %arg3[%dma_wait3A_49, %dma_wait3A_50] : memref<1048576x32xf32, #tpu.memory_space<hbm>> -> memref<1048576x32xf32, #tpu.memory_space<hbm>>
      tpu.wait_indirect_dma semaphore(%arg12 : memref<!tpu.dma_semaphore, #tpu.memory_space<semaphore_mem>>) src(%dma_wait3A_51 : memref<1048576x32xf32, #tpu.memory_space<hbm>>) dst(%arg8 : memref<1600x32xf32, #tpu.memory_space<vmem>>)
      %scan3A_52 = arith.constant 0 : i32
      %scan3A_53 = arith.constant 0 : i32
      %scan3A_54 = arith.constant 32 : i32
      %scan3A_55 = arith.addi %scan3A_53, %scan3A_54 : i32
      %scan3A_56 = arith.constant 1 : i32
      scf.for %scan3A_72 = %scan3A_53 to %scan3A_55 step %scan3A_56  : i32 {
        %mul3A_73 = arith.constant 50 : i32
        %mul3A_74 = arith.muli %scan3A_72, %mul3A_73 : i32
        %get3A = arith.index_cast %mul3A_74 : i32 to index
        %get3A_75 = arith.constant 0 : index
        %get3A_76 = tpu.vector_load %arg8[%get3A, %get3A_75] {strides = array<i32>} : memref<1600x32xf32, #tpu.memory_space<vmem>>, vector<1x16xf32>,
        %get3A_77 = vector.shape_cast %get3A_76 : vector<1x16xf32> to vector<16xf32>
        %mul3A_78 = arith.constant 50 : i32
        %mul3A_79 = arith.muli %scan3A_72, %mul3A_78 : i32
        %get3A_80 = arith.index_cast %mul3A_79 : i32 to index
        %get3A_81 = arith.constant 16 : index
        %get3A_82 = tpu.vector_load %arg8[%get3A_80, %get3A_81] {strides = array<i32>} : memref<1600x32xf32, #tpu.memory_space<vmem>>, vector<1x16xf32>,
        %get3A_83 = vector.shape_cast %get3A_82 : vector<1x16xf32> to vector<16xf32>
        %mul3A_84 = arith.constant 50 : i32
        %mul3A_85 = arith.muli %scan3A_72, %mul3A_84 : i32
        %add3A_86 = arith.constant 1 : i32
        %add3A_87 = arith.addi %mul3A_85, %add3A_86 : i32
        %get3A_88 = arith.index_cast %add3A_87 : i32 to index
        %get3A_89 = arith.constant 0 : index
        %get3A_90 = tpu.vector_load %arg8[%get3A_88, %get3A_89] {strides = array<i32>} : memref<1600x32xf32, #tpu.memory_space<vmem>>, vector<1x16xf32>,
        %get3A_91 = vector.shape_cast %get3A_90 : vector<1x16xf32> to vector<16xf32>
        %add3A_92 = arith.addf %get3A_77, %get3A_91 : vector<16xf32>
        %mul3A_93 = arith.constant 50 : i32
        %mul3A_94 = arith.muli %scan3A_72, %mul3A_93 : i32
        %add3A_95 = arith.constant 1 : i32
        %add3A_96 = arith.addi %mul3A_94, %add3A_95 : i32
        %get3A_97 = arith.index_cast %add3A_96 : i32 to index
        %get3A_98 = arith.constant 16 : index
        %get3A_99 = tpu.vector_load %arg8[%get3A_97, %get3A_98] {strides = array<i32>} : memref<1600x32xf32, #tpu.memory_space<vmem>>, vector<1x16xf32>,
        %get3A_100 = vector.shape_cast %get3A_99 : vector<1x16xf32> to vector<16xf32>
        %add3A_101 = arith.addf %get3A_83, %get3A_100 : vector<16xf32>
        %mul3A_102 = arith.constant 50 : i32
        %mul3A_103 = arith.muli %scan3A_72, %mul3A_102 : i32
        %add3A_104 = arith.constant 2 : i32
        %add3A_105 = arith.addi %mul3A_103, %add3A_104 : i32
        %get3A_106 = arith.index_cast %add3A_105 : i32 to index
        %get3A_107 = arith.constant 0 : index
        %get3A_108 = tpu.vector_load %arg8[%get3A_106, %get3A_107] {strides = array<i32>} : memref<1600x32xf32, #tpu.memory_space<vmem>>, vector<1x16xf32>,
        %get3A_109 = vector.shape_cast %get3A_108 : vector<1x16xf32> to vector<16xf32>
        %add3A_110 = arith.addf %add3A_92, %get3A_109 : vector<16xf32>
        %mul3A_111 = arith.constant 50 : i32
        %mul3A_112 = arith.muli %scan3A_72, %mul3A_111 : i32
        %add3A_113 = arith.constant 2 : i32
        %add3A_114 = arith.addi %mul3A_112, %add3A_113 : i32
        %get3A_115 = arith.index_cast %add3A_114 : i32 to index
        %get3A_116 = arith.constant 16 : index
        %get3A_117 = tpu.vector_load %arg8[%get3A_115, %get3A_116] {strides = array<i32>} : memref<1600x32xf32, #tpu.memory_space<vmem>>, vector<1x16xf32>,
        %get3A_118 = vector.shape_cast %get3A_117 : vector<1x16xf32> to vector<16xf32>
        %add3A_119 = arith.addf %add3A_101, %get3A_118 : vector<16xf32>
        %mul3A_120 = arith.constant 50 : i32
        %mul3A_121 = arith.muli %scan3A_72, %mul3A_120 : i32
        %add3A_122 = arith.constant 3 : i32
        %add3A_123 = arith.addi %mul3A_121, %add3A_122 : i32
        %get3A_124 = arith.index_cast %add3A_123 : i32 to index
        %get3A_125 = arith.constant 0 : index
        %get3A_126 = tpu.vector_load %arg8[%get3A_124, %get3A_125] {strides = array<i32>} : memref<1600x32xf32, #tpu.memory_space<vmem>>, vector<1x16xf32>,
        %get3A_127 = vector.shape_cast %get3A_126 : vector<1x16xf32> to vector<16xf32>
        %add3A_128 = arith.addf %add3A_110, %get3A_127 : vector<16xf32>
        %mul3A_129 = arith.constant 50 : i32
        %mul3A_130 = arith.muli %scan3A_72, %mul3A_129 : i32
        %add3A_131 = arith.constant 3 : i32
        %add3A_132 = arith.addi %mul3A_130, %add3A_131 : i32
        %get3A_133 = arith.index_cast %add3A_132 : i32 to index
        %get3A_134 = arith.constant 16 : index
        %get3A_135 = tpu.vector_load %arg8[%get3A_133, %get3A_134] {strides = array<i32>} : memref<1600x32xf32, #tpu.memory_space<vmem>>, vector<1x16xf32>,
        %get3A_136 = vector.shape_cast %get3A_135 : vector<1x16xf32> to vector<16xf32>
        %add3A_137 = arith.addf %add3A_119, %get3A_136 : vector<16xf32>
        %mul3A_138 = arith.constant 50 : i32
        %mul3A_139 = arith.muli %scan3A_72, %mul3A_138 : i32
        %add3A_140 = arith.constant 4 : i32
        %add3A_141 = arith.addi %mul3A_139, %add3A_140 : i32
        %get3A_142 = arith.index_cast %add3A_141 : i32 to index
        %get3A_143 = arith.constant 0 : index
        %get3A_144 = tpu.vector_load %arg8[%get3A_142, %get3A_143] {strides = array<i32>} : memref<1600x32xf32, #tpu.memory_space<vmem>>, vector<1x16xf32>,
        %get3A_145 = vector.shape_cast %get3A_144 : vector<1x16xf32> to vector<16xf32>
        %add3A_146 = arith.addf %add3A_128, %get3A_145 : vector<16xf32>
        %mul3A_147 = arith.constant 50 : i32
        %mul3A_148 = arith.muli %scan3A_72, %mul3A_147 : i32
        %add3A_149 = arith.constant 4 : i32
        %add3A_150 = arith.addi %mul3A_148, %add3A_149 : i32
        %get3A_151 = arith.index_cast %add3A_150 : i32 to index
        %get3A_152 = arith.constant 16 : index
        %get3A_153 = tpu.vector_load %arg8[%get3A_151, %get3A_152] {strides = array<i32>} : memref<1600x32xf32, #tpu.memory_space<vmem>>, vector<1x16xf32>,
        %get3A_154 = vector.shape_cast %get3A_153 : vector<1x16xf32> to vector<16xf32>
        %add3A_155 = arith.addf %add3A_137, %get3A_154 : vector<16xf32>
        %mul3A_156 = arith.constant 50 : i32
        %mul3A_157 = arith.muli %scan3A_72, %mul3A_156 : i32
        %add3A_158 = arith.constant 5 : i32
        %add3A_159 = arith.addi %mul3A_157, %add3A_158 : i32
        %get3A_160 = arith.index_cast %add3A_159 : i32 to index
        %get3A_161 = arith.constant 0 : index
        %get3A_162 = tpu.vector_load %arg8[%get3A_160, %get3A_161] {strides = array<i32>} : memref<1600x32xf32, #tpu.memory_space<vmem>>, vector<1x16xf32>,
        %get3A_163 = vector.shape_cast %get3A_162 : vector<1x16xf32> to vector<16xf32>
        %add3A_164 = arith.addf %add3A_146, %get3A_163 : vector<16xf32>
        %mul3A_165 = arith.constant 50 : i32
        %mul3A_166 = arith.muli %scan3A_72, %mul3A_165 : i32
        %add3A_167 = arith.constant 5 : i32
        %add3A_168 = arith.addi %mul3A_166, %add3A_167 : i32
        %get3A_169 = arith.index_cast %add3A_168 : i32 to index
        %get3A_170 = arith.constant 16 : index
        %get3A_171 = tpu.vector_load %arg8[%get3A_169, %get3A_170] {strides = array<i32>} : memref<1600x32xf32, #tpu.memory_space<vmem>>, vector<1x16xf32>,
        %get3A_172 = vector.shape_cast %get3A_171 : vector<1x16xf32> to vector<16xf32>
        %add3A_173 = arith.addf %add3A_155, %get3A_172 : vector<16xf32>
        %mul3A_174 = arith.constant 50 : i32
        %mul3A_175 = arith.muli %scan3A_72, %mul3A_174 : i32
        %add3A_176 = arith.constant 6 : i32
        %add3A_177 = arith.addi %mul3A_175, %add3A_176 : i32
        %get3A_178 = arith.index_cast %add3A_177 : i32 to index
        %get3A_179 = arith.constant 0 : index
        %get3A_180 = tpu.vector_load %arg8[%get3A_178, %get3A_179] {strides = array<i32>} : memref<1600x32xf32, #tpu.memory_space<vmem>>, vector<1x16xf32>,
        %get3A_181 = vector.shape_cast %get3A_180 : vector<1x16xf32> to vector<16xf32>
        %add3A_182 = arith.addf %add3A_164, %get3A_181 : vector<16xf32>
        %mul3A_183 = arith.constant 50 : i32
        %mul3A_184 = arith.muli %scan3A_72, %mul3A_183 : i32
        %add3A_185 = arith.constant 6 : i32
        %add3A_186 = arith.addi %mul3A_184, %add3A_185 : i32
        %get3A_187 = arith.index_cast %add3A_186 : i32 to index
        %get3A_188 = arith.constant 16 : index
        %get3A_189 = tpu.vector_load %arg8[%get3A_187, %get3A_188] {strides = array<i32>} : memref<1600x32xf32, #tpu.memory_space<vmem>>, vector<1x16xf32>,
        %get3A_190 = vector.shape_cast %get3A_189 : vector<1x16xf32> to vector<16xf32>
        %add3A_191 = arith.addf %add3A_173, %get3A_190 : vector<16xf32>
        %mul3A_192 = arith.constant 50 : i32
        %mul3A_193 = arith.muli %scan3A_72, %mul3A_192 : i32
        %add3A_194 = arith.constant 7 : i32
        %add3A_195 = arith.addi %mul3A_193, %add3A_194 : i32
        %get3A_196 = arith.index_cast %add3A_195 : i32 to index
        %get3A_197 = arith.constant 0 : index
        %get3A_198 = tpu.vector_load %arg8[%get3A_196, %get3A_197] {strides = array<i32>} : memref<1600x32xf32, #tpu.memory_space<vmem>>, vector<1x16xf32>,
        %get3A_199 = vector.shape_cast %get3A_198 : vector<1x16xf32> to vector<16xf32>
        %add3A_200 = arith.addf %add3A_182, %get3A_199 : vector<16xf32>
        %mul3A_201 = arith.constant 50 : i32
        %mul3A_202 = arith.muli %scan3A_72, %mul3A_201 : i32
        %add3A_203 = arith.constant 7 : i32
        %add3A_204 = arith.addi %mul3A_202, %add3A_203 : i32
        %get3A_205 = arith.index_cast %add3A_204 : i32 to index
        %get3A_206 = arith.constant 16 : index
        %get3A_207 = tpu.vector_load %arg8[%get3A_205, %get3A_206] {strides = array<i32>} : memref<1600x32xf32, #tpu.memory_space<vmem>>, vector<1x16xf32>,
        %get3A_208 = vector.shape_cast %get3A_207 : vector<1x16xf32> to vector<16xf32>
        %add3A_209 = arith.addf %add3A_191, %get3A_208 : vector<16xf32>
        %mul3A_210 = arith.constant 50 : i32
        %mul3A_211 = arith.muli %scan3A_72, %mul3A_210 : i32
        %add3A_212 = arith.constant 8 : i32
        %add3A_213 = arith.addi %mul3A_211, %add3A_212 : i32
        %get3A_214 = arith.index_cast %add3A_213 : i32 to index
        %get3A_215 = arith.constant 0 : index
        %get3A_216 = tpu.vector_load %arg8[%get3A_214, %get3A_215] {strides = array<i32>} : memref<1600x32xf32, #tpu.memory_space<vmem>>, vector<1x16xf32>,
        %get3A_217 = vector.shape_cast %get3A_216 : vector<1x16xf32> to vector<16xf32>
        %add3A_218 = arith.addf %add3A_200, %get3A_217 : vector<16xf32>
        %mul3A_219 = arith.constant 50 : i32
        %mul3A_220 = arith.muli %scan3A_72, %mul3A_219 : i32
        %add3A_221 = arith.constant 8 : i32
        %add3A_222 = arith.addi %mul3A_220, %add3A_221 : i32
        %get3A_223 = arith.index_cast %add3A_222 : i32 to index
        %get3A_224 = arith.constant 16 : index
        %get3A_225 = tpu.vector_load %arg8[%get3A_223, %get3A_224] {strides = array<i32>} : memref<1600x32xf32, #tpu.memory_space<vmem>>, vector<1x16xf32>,
        %get3A_226 = vector.shape_cast %get3A_225 : vector<1x16xf32> to vector<16xf32>
        %add3A_227 = arith.addf %add3A_209, %get3A_226 : vector<16xf32>
        %mul3A_228 = arith.constant 50 : i32
        %mul3A_229 = arith.muli %scan3A_72, %mul3A_228 : i32
        %add3A_230 = arith.constant 9 : i32
        %add3A_231 = arith.addi %mul3A_229, %add3A_230 : i32
        %get3A_232 = arith.index_cast %add3A_231 : i32 to index
        %get3A_233 = arith.constant 0 : index
        %get3A_234 = tpu.vector_load %arg8[%get3A_232, %get3A_233] {strides = array<i32>} : memref<1600x32xf32, #tpu.memory_space<vmem>>, vector<1x16xf32>,
        %get3A_235 = vector.shape_cast %get3A_234 : vector<1x16xf32> to vector<16xf32>
        %add3A_236 = arith.addf %add3A_218, %get3A_235 : vector<16xf32>
        %mul3A_237 = arith.constant 50 : i32
        %mul3A_238 = arith.muli %scan3A_72, %mul3A_237 : i32
        %add3A_239 = arith.constant 9 : i32
        %add3A_240 = arith.addi %mul3A_238, %add3A_239 : i32
        %get3A_241 = arith.index_cast %add3A_240 : i32 to index
        %get3A_242 = arith.constant 16 : index
        %get3A_243 = tpu.vector_load %arg8[%get3A_241, %get3A_242] {strides = array<i32>} : memref<1600x32xf32, #tpu.memory_space<vmem>>, vector<1x16xf32>,
        %get3A_244 = vector.shape_cast %get3A_243 : vector<1x16xf32> to vector<16xf32>
        %add3A_245 = arith.addf %add3A_227, %get3A_244 : vector<16xf32>
        %mul3A_246 = arith.constant 50 : i32
        %mul3A_247 = arith.muli %scan3A_72, %mul3A_246 : i32
        %add3A_248 = arith.constant 10 : i32
        %add3A_249 = arith.addi %mul3A_247, %add3A_248 : i32
        %get3A_250 = arith.index_cast %add3A_249 : i32 to index
        %get3A_251 = arith.constant 0 : index
        %get3A_252 = tpu.vector_load %arg8[%get3A_250, %get3A_251] {strides = array<i32>} : memref<1600x32xf32, #tpu.memory_space<vmem>>, vector<1x16xf32>,
        %get3A_253 = vector.shape_cast %get3A_252 : vector<1x16xf32> to vector<16xf32>
        %add3A_254 = arith.addf %add3A_236, %get3A_253 : vector<16xf32>
        %mul3A_255 = arith.constant 50 : i32
        %mul3A_256 = arith.muli %scan3A_72, %mul3A_255 : i32
        %add3A_257 = arith.constant 10 : i32
        %add3A_258 = arith.addi %mul3A_256, %add3A_257 : i32
        %get3A_259 = arith.index_cast %add3A_258 : i32 to index
        %get3A_260 = arith.constant 16 : index
        %get3A_261 = tpu.vector_load %arg8[%get3A_259, %get3A_260] {strides = array<i32>} : memref<1600x32xf32, #tpu.memory_space<vmem>>, vector<1x16xf32>,
        %get3A_262 = vector.shape_cast %get3A_261 : vector<1x16xf32> to vector<16xf32>
        %add3A_263 = arith.addf %add3A_245, %get3A_262 : vector<16xf32>
        %mul3A_264 = arith.constant 50 : i32
        %mul3A_265 = arith.muli %scan3A_72, %mul3A_264 : i32
        %add3A_266 = arith.constant 11 : i32
        %add3A_267 = arith.addi %mul3A_265, %add3A_266 : i32
        %get3A_268 = arith.index_cast %add3A_267 : i32 to index
        %get3A_269 = arith.constant 0 : index
        %get3A_270 = tpu.vector_load %arg8[%get3A_268, %get3A_269] {strides = array<i32>} : memref<1600x32xf32, #tpu.memory_space<vmem>>, vector<1x16xf32>,
        %get3A_271 = vector.shape_cast %get3A_270 : vector<1x16xf32> to vector<16xf32>
        %add3A_272 = arith.addf %add3A_254, %get3A_271 : vector<16xf32>
        %mul3A_273 = arith.constant 50 : i32
        %mul3A_274 = arith.muli %scan3A_72, %mul3A_273 : i32
        %add3A_275 = arith.constant 11 : i32
        %add3A_276 = arith.addi %mul3A_274, %add3A_275 : i32
        %get3A_277 = arith.index_cast %add3A_276 : i32 to index
        %get3A_278 = arith.constant 16 : index
        %get3A_279 = tpu.vector_load %arg8[%get3A_277, %get3A_278] {strides = array<i32>} : memref<1600x32xf32, #tpu.memory_space<vmem>>, vector<1x16xf32>,
        %get3A_280 = vector.shape_cast %get3A_279 : vector<1x16xf32> to vector<16xf32>
        %add3A_281 = arith.addf %add3A_263, %get3A_280 : vector<16xf32>
        %mul3A_282 = arith.constant 50 : i32
        %mul3A_283 = arith.muli %scan3A_72, %mul3A_282 : i32
        %add3A_284 = arith.constant 12 : i32
        %add3A_285 = arith.addi %mul3A_283, %add3A_284 : i32
        %get3A_286 = arith.index_cast %add3A_285 : i32 to index
        %get3A_287 = arith.constant 0 : index
        %get3A_288 = tpu.vector_load %arg8[%get3A_286, %get3A_287] {strides = array<i32>} : memref<1600x32xf32, #tpu.memory_space<vmem>>, vector<1x16xf32>,
        %get3A_289 = vector.shape_cast %get3A_288 : vector<1x16xf32> to vector<16xf32>
        %add3A_290 = arith.addf %add3A_272, %get3A_289 : vector<16xf32>
        %mul3A_291 = arith.constant 50 : i32
        %mul3A_292 = arith.muli %scan3A_72, %mul3A_291 : i32
        %add3A_293 = arith.constant 12 : i32
        %add3A_294 = arith.addi %mul3A_292, %add3A_293 : i32
        %get3A_295 = arith.index_cast %add3A_294 : i32 to index
        %get3A_296 = arith.constant 16 : index
        %get3A_297 = tpu.vector_load %arg8[%get3A_295, %get3A_296] {strides = array<i32>} : memref<1600x32xf32, #tpu.memory_space<vmem>>, vector<1x16xf32>,
        %get3A_298 = vector.shape_cast %get3A_297 : vector<1x16xf32> to vector<16xf32>
        %add3A_299 = arith.addf %add3A_281, %get3A_298 : vector<16xf32>
        %mul3A_300 = arith.constant 50 : i32
        %mul3A_301 = arith.muli %scan3A_72, %mul3A_300 : i32
        %add3A_302 = arith.constant 13 : i32
        %add3A_303 = arith.addi %mul3A_301, %add3A_302 : i32
        %get3A_304 = arith.index_cast %add3A_303 : i32 to index
        %get3A_305 = arith.constant 0 : index
        %get3A_306 = tpu.vector_load %arg8[%get3A_304, %get3A_305] {strides = array<i32>} : memref<1600x32xf32, #tpu.memory_space<vmem>>, vector<1x16xf32>,
        %get3A_307 = vector.shape_cast %get3A_306 : vector<1x16xf32> to vector<16xf32>
        %add3A_308 = arith.addf %add3A_290, %get3A_307 : vector<16xf32>
        %mul3A_309 = arith.constant 50 : i32
        %mul3A_310 = arith.muli %scan3A_72, %mul3A_309 : i32
        %add3A_311 = arith.constant 13 : i32
        %add3A_312 = arith.addi %mul3A_310, %add3A_311 : i32
        %get3A_313 = arith.index_cast %add3A_312 : i32 to index
        %get3A_314 = arith.constant 16 : index
        %get3A_315 = tpu.vector_load %arg8[%get3A_313, %get3A_314] {strides = array<i32>} : memref<1600x32xf32, #tpu.memory_space<vmem>>, vector<1x16xf32>,
        %get3A_316 = vector.shape_cast %get3A_315 : vector<1x16xf32> to vector<16xf32>
        %add3A_317 = arith.addf %add3A_299, %get3A_316 : vector<16xf32>
        %mul3A_318 = arith.constant 50 : i32
        %mul3A_319 = arith.muli %scan3A_72, %mul3A_318 : i32
        %add3A_320 = arith.constant 14 : i32
        %add3A_321 = arith.addi %mul3A_319, %add3A_320 : i32
        %get3A_322 = arith.index_cast %add3A_321 : i32 to index
        %get3A_323 = arith.constant 0 : index
        %get3A_324 = tpu.vector_load %arg8[%get3A_322, %get3A_323] {strides = array<i32>} : memref<1600x32xf32, #tpu.memory_space<vmem>>, vector<1x16xf32>,
        %get3A_325 = vector.shape_cast %get3A_324 : vector<1x16xf32> to vector<16xf32>
        %add3A_326 = arith.addf %add3A_308, %get3A_325 : vector<16xf32>
        %mul3A_327 = arith.constant 50 : i32
        %mul3A_328 = arith.muli %scan3A_72, %mul3A_327 : i32
        %add3A_329 = arith.constant 14 : i32
        %add3A_330 = arith.addi %mul3A_328, %add3A_329 : i32
        %get3A_331 = arith.index_cast %add3A_330 : i32 to index
        %get3A_332 = arith.constant 16 : index
        %get3A_333 = tpu.vector_load %arg8[%get3A_331, %get3A_332] {strides = array<i32>} : memref<1600x32xf32, #tpu.memory_space<vmem>>, vector<1x16xf32>,
        %get3A_334 = vector.shape_cast %get3A_333 : vector<1x16xf32> to vector<16xf32>
        %add3A_335 = arith.addf %add3A_317, %get3A_334 : vector<16xf32>
        %mul3A_336 = arith.constant 50 : i32
        %mul3A_337 = arith.muli %scan3A_72, %mul3A_336 : i32
        %add3A_338 = arith.constant 15 : i32
        %add3A_339 = arith.addi %mul3A_337, %add3A_338 : i32
        %get3A_340 = arith.index_cast %add3A_339 : i32 to index
        %get3A_341 = arith.constant 0 : index
        %get3A_342 = tpu.vector_load %arg8[%get3A_340, %get3A_341] {strides = array<i32>} : memref<1600x32xf32, #tpu.memory_space<vmem>>, vector<1x16xf32>,
        %get3A_343 = vector.shape_cast %get3A_342 : vector<1x16xf32> to vector<16xf32>
        %add3A_344 = arith.addf %add3A_326, %get3A_343 : vector<16xf32>
        %mul3A_345 = arith.constant 50 : i32
        %mul3A_346 = arith.muli %scan3A_72, %mul3A_345 : i32
        %add3A_347 = arith.constant 15 : i32
        %add3A_348 = arith.addi %mul3A_346, %add3A_347 : i32
        %get3A_349 = arith.index_cast %add3A_348 : i32 to index
        %get3A_350 = arith.constant 16 : index
        %get3A_351 = tpu.vector_load %arg8[%get3A_349, %get3A_350] {strides = array<i32>} : memref<1600x32xf32, #tpu.memory_space<vmem>>, vector<1x16xf32>,
        %get3A_352 = vector.shape_cast %get3A_351 : vector<1x16xf32> to vector<16xf32>
        %add3A_353 = arith.addf %add3A_335, %get3A_352 : vector<16xf32>
        %mul3A_354 = arith.constant 50 : i32
        %mul3A_355 = arith.muli %scan3A_72, %mul3A_354 : i32
        %add3A_356 = arith.constant 16 : i32
        %add3A_357 = arith.addi %mul3A_355, %add3A_356 : i32
        %get3A_358 = arith.index_cast %add3A_357 : i32 to index
        %get3A_359 = arith.constant 0 : index
        %get3A_360 = tpu.vector_load %arg8[%get3A_358, %get3A_359] {strides = array<i32>} : memref<1600x32xf32, #tpu.memory_space<vmem>>, vector<1x16xf32>,
        %get3A_361 = vector.shape_cast %get3A_360 : vector<1x16xf32> to vector<16xf32>
        %add3A_362 = arith.addf %add3A_344, %get3A_361 : vector<16xf32>
        %mul3A_363 = arith.constant 50 : i32
        %mul3A_364 = arith.muli %scan3A_72, %mul3A_363 : i32
        %add3A_365 = arith.constant 16 : i32
        %add3A_366 = arith.addi %mul3A_364, %add3A_365 : i32
        %get3A_367 = arith.index_cast %add3A_366 : i32 to index
        %get3A_368 = arith.constant 16 : index
        %get3A_369 = tpu.vector_load %arg8[%get3A_367, %get3A_368] {strides = array<i32>} : memref<1600x32xf32, #tpu.memory_space<vmem>>, vector<1x16xf32>,
        %get3A_370 = vector.shape_cast %get3A_369 : vector<1x16xf32> to vector<16xf32>
        %add3A_371 = arith.addf %add3A_353, %get3A_370 : vector<16xf32>
        %mul3A_372 = arith.constant 50 : i32
        %mul3A_373 = arith.muli %scan3A_72, %mul3A_372 : i32
        %add3A_374 = arith.constant 17 : i32
        %add3A_375 = arith.addi %mul3A_373, %add3A_374 : i32
        %get3A_376 = arith.index_cast %add3A_375 : i32 to index
        %get3A_377 = arith.constant 0 : index
        %get3A_378 = tpu.vector_load %arg8[%get3A_376, %get3A_377] {strides = array<i32>} : memref<1600x32xf32, #tpu.memory_space<vmem>>, vector<1x16xf32>,
        %get3A_379 = vector.shape_cast %get3A_378 : vector<1x16xf32> to vector<16xf32>
        %add3A_380 = arith.addf %add3A_362, %get3A_379 : vector<16xf32>
        %mul3A_381 = arith.constant 50 : i32
        %mul3A_382 = arith.muli %scan3A_72, %mul3A_381 : i32
        %add3A_383 = arith.constant 17 : i32
        %add3A_384 = arith.addi %mul3A_382, %add3A_383 : i32
        %get3A_385 = arith.index_cast %add3A_384 : i32 to index
        %get3A_386 = arith.constant 16 : index
        %get3A_387 = tpu.vector_load %arg8[%get3A_385, %get3A_386] {strides = array<i32>} : memref<1600x32xf32, #tpu.memory_space<vmem>>, vector<1x16xf32>,
        %get3A_388 = vector.shape_cast %get3A_387 : vector<1x16xf32> to vector<16xf32>
        %add3A_389 = arith.addf %add3A_371, %get3A_388 : vector<16xf32>
        %mul3A_390 = arith.constant 50 : i32
        %mul3A_391 = arith.muli %scan3A_72, %mul3A_390 : i32
        %add3A_392 = arith.constant 18 : i32
        %add3A_393 = arith.addi %mul3A_391, %add3A_392 : i32
        %get3A_394 = arith.index_cast %add3A_393 : i32 to index
        %get3A_395 = arith.constant 0 : index
        %get3A_396 = tpu.vector_load %arg8[%get3A_394, %get3A_395] {strides = array<i32>} : memref<1600x32xf32, #tpu.memory_space<vmem>>, vector<1x16xf32>,
        %get3A_397 = vector.shape_cast %get3A_396 : vector<1x16xf32> to vector<16xf32>
        %add3A_398 = arith.addf %add3A_380, %get3A_397 : vector<16xf32>
        %mul3A_399 = arith.constant 50 : i32
        %mul3A_400 = arith.muli %scan3A_72, %mul3A_399 : i32
        %add3A_401 = arith.constant 18 : i32
        %add3A_402 = arith.addi %mul3A_400, %add3A_401 : i32
        %get3A_403 = arith.index_cast %add3A_402 : i32 to index
        %get3A_404 = arith.constant 16 : index
        %get3A_405 = tpu.vector_load %arg8[%get3A_403, %get3A_404] {strides = array<i32>} : memref<1600x32xf32, #tpu.memory_space<vmem>>, vector<1x16xf32>,
        %get3A_406 = vector.shape_cast %get3A_405 : vector<1x16xf32> to vector<16xf32>
        %add3A_407 = arith.addf %add3A_389, %get3A_406 : vector<16xf32>
        %mul3A_408 = arith.constant 50 : i32
        %mul3A_409 = arith.muli %scan3A_72, %mul3A_408 : i32
        %add3A_410 = arith.constant 19 : i32
        %add3A_411 = arith.addi %mul3A_409, %add3A_410 : i32
        %get3A_412 = arith.index_cast %add3A_411 : i32 to index
        %get3A_413 = arith.constant 0 : index
        %get3A_414 = tpu.vector_load %arg8[%get3A_412, %get3A_413] {strides = array<i32>} : memref<1600x32xf32, #tpu.memory_space<vmem>>, vector<1x16xf32>,
        %get3A_415 = vector.shape_cast %get3A_414 : vector<1x16xf32> to vector<16xf32>
        %add3A_416 = arith.addf %add3A_398, %get3A_415 : vector<16xf32>
        %mul3A_417 = arith.constant 50 : i32
        %mul3A_418 = arith.muli %scan3A_72, %mul3A_417 : i32
        %add3A_419 = arith.constant 19 : i32
        %add3A_420 = arith.addi %mul3A_418, %add3A_419 : i32
        %get3A_421 = arith.index_cast %add3A_420 : i32 to index
        %get3A_422 = arith.constant 16 : index
        %get3A_423 = tpu.vector_load %arg8[%get3A_421, %get3A_422] {strides = array<i32>} : memref<1600x32xf32, #tpu.memory_space<vmem>>, vector<1x16xf32>,
        %get3A_424 = vector.shape_cast %get3A_423 : vector<1x16xf32> to vector<16xf32>
        %add3A_425 = arith.addf %add3A_407, %get3A_424 : vector<16xf32>
        %mul3A_426 = arith.constant 50 : i32
        %mul3A_427 = arith.muli %scan3A_72, %mul3A_426 : i32
        %add3A_428 = arith.constant 20 : i32
        %add3A_429 = arith.addi %mul3A_427, %add3A_428 : i32
        %get3A_430 = arith.index_cast %add3A_429 : i32 to index
        %get3A_431 = arith.constant 0 : index
        %get3A_432 = tpu.vector_load %arg8[%get3A_430, %get3A_431] {strides = array<i32>} : memref<1600x32xf32, #tpu.memory_space<vmem>>, vector<1x16xf32>,
        %get3A_433 = vector.shape_cast %get3A_432 : vector<1x16xf32> to vector<16xf32>
        %add3A_434 = arith.addf %add3A_416, %get3A_433 : vector<16xf32>
        %mul3A_435 = arith.constant 50 : i32
        %mul3A_436 = arith.muli %scan3A_72, %mul3A_435 : i32
        %add3A_437 = arith.constant 20 : i32
        %add3A_438 = arith.addi %mul3A_436, %add3A_437 : i32
        %get3A_439 = arith.index_cast %add3A_438 : i32 to index
        %get3A_440 = arith.constant 16 : index
        %get3A_441 = tpu.vector_load %arg8[%get3A_439, %get3A_440] {strides = array<i32>} : memref<1600x32xf32, #tpu.memory_space<vmem>>, vector<1x16xf32>,
        %get3A_442 = vector.shape_cast %get3A_441 : vector<1x16xf32> to vector<16xf32>
        %add3A_443 = arith.addf %add3A_425, %get3A_442 : vector<16xf32>
        %mul3A_444 = arith.constant 50 : i32
        %mul3A_445 = arith.muli %scan3A_72, %mul3A_444 : i32
        %add3A_446 = arith.constant 21 : i32
        %add3A_447 = arith.addi %mul3A_445, %add3A_446 : i32
        %get3A_448 = arith.index_cast %add3A_447 : i32 to index
        %get3A_449 = arith.constant 0 : index
        %get3A_450 = tpu.vector_load %arg8[%get3A_448, %get3A_449] {strides = array<i32>} : memref<1600x32xf32, #tpu.memory_space<vmem>>, vector<1x16xf32>,
        %get3A_451 = vector.shape_cast %get3A_450 : vector<1x16xf32> to vector<16xf32>
        %add3A_452 = arith.addf %add3A_434, %get3A_451 : vector<16xf32>
        %mul3A_453 = arith.constant 50 : i32
        %mul3A_454 = arith.muli %scan3A_72, %mul3A_453 : i32
        %add3A_455 = arith.constant 21 : i32
        %add3A_456 = arith.addi %mul3A_454, %add3A_455 : i32
        %get3A_457 = arith.index_cast %add3A_456 : i32 to index
        %get3A_458 = arith.constant 16 : index
        %get3A_459 = tpu.vector_load %arg8[%get3A_457, %get3A_458] {strides = array<i32>} : memref<1600x32xf32, #tpu.memory_space<vmem>>, vector<1x16xf32>,
        %get3A_460 = vector.shape_cast %get3A_459 : vector<1x16xf32> to vector<16xf32>
        %add3A_461 = arith.addf %add3A_443, %get3A_460 : vector<16xf32>
        %mul3A_462 = arith.constant 50 : i32
        %mul3A_463 = arith.muli %scan3A_72, %mul3A_462 : i32
        %add3A_464 = arith.constant 22 : i32
        %add3A_465 = arith.addi %mul3A_463, %add3A_464 : i32
        %get3A_466 = arith.index_cast %add3A_465 : i32 to index
        %get3A_467 = arith.constant 0 : index
        %get3A_468 = tpu.vector_load %arg8[%get3A_466, %get3A_467] {strides = array<i32>} : memref<1600x32xf32, #tpu.memory_space<vmem>>, vector<1x16xf32>,
        %get3A_469 = vector.shape_cast %get3A_468 : vector<1x16xf32> to vector<16xf32>
        %add3A_470 = arith.addf %add3A_452, %get3A_469 : vector<16xf32>
        %mul3A_471 = arith.constant 50 : i32
        %mul3A_472 = arith.muli %scan3A_72, %mul3A_471 : i32
        %add3A_473 = arith.constant 22 : i32
        %add3A_474 = arith.addi %mul3A_472, %add3A_473 : i32
        %get3A_475 = arith.index_cast %add3A_474 : i32 to index
        %get3A_476 = arith.constant 16 : index
        %get3A_477 = tpu.vector_load %arg8[%get3A_475, %get3A_476] {strides = array<i32>} : memref<1600x32xf32, #tpu.memory_space<vmem>>, vector<1x16xf32>,
        %get3A_478 = vector.shape_cast %get3A_477 : vector<1x16xf32> to vector<16xf32>
        %add3A_479 = arith.addf %add3A_461, %get3A_478 : vector<16xf32>
        %mul3A_480 = arith.constant 50 : i32
        %mul3A_481 = arith.muli %scan3A_72, %mul3A_480 : i32
        %add3A_482 = arith.constant 23 : i32
        %add3A_483 = arith.addi %mul3A_481, %add3A_482 : i32
        %get3A_484 = arith.index_cast %add3A_483 : i32 to index
        %get3A_485 = arith.constant 0 : index
        %get3A_486 = tpu.vector_load %arg8[%get3A_484, %get3A_485] {strides = array<i32>} : memref<1600x32xf32, #tpu.memory_space<vmem>>, vector<1x16xf32>,
        %get3A_487 = vector.shape_cast %get3A_486 : vector<1x16xf32> to vector<16xf32>
        %add3A_488 = arith.addf %add3A_470, %get3A_487 : vector<16xf32>
        %mul3A_489 = arith.constant 50 : i32
        %mul3A_490 = arith.muli %scan3A_72, %mul3A_489 : i32
        %add3A_491 = arith.constant 23 : i32
        %add3A_492 = arith.addi %mul3A_490, %add3A_491 : i32
        %get3A_493 = arith.index_cast %add3A_492 : i32 to index
        %get3A_494 = arith.constant 16 : index
        %get3A_495 = tpu.vector_load %arg8[%get3A_493, %get3A_494] {strides = array<i32>} : memref<1600x32xf32, #tpu.memory_space<vmem>>, vector<1x16xf32>,
        %get3A_496 = vector.shape_cast %get3A_495 : vector<1x16xf32> to vector<16xf32>
        %add3A_497 = arith.addf %add3A_479, %get3A_496 : vector<16xf32>
        %mul3A_498 = arith.constant 50 : i32
        %mul3A_499 = arith.muli %scan3A_72, %mul3A_498 : i32
        %add3A_500 = arith.constant 24 : i32
        %add3A_501 = arith.addi %mul3A_499, %add3A_500 : i32
        %get3A_502 = arith.index_cast %add3A_501 : i32 to index
        %get3A_503 = arith.constant 0 : index
        %get3A_504 = tpu.vector_load %arg8[%get3A_502, %get3A_503] {strides = array<i32>} : memref<1600x32xf32, #tpu.memory_space<vmem>>, vector<1x16xf32>,
        %get3A_505 = vector.shape_cast %get3A_504 : vector<1x16xf32> to vector<16xf32>
        %add3A_506 = arith.addf %add3A_488, %get3A_505 : vector<16xf32>
        %mul3A_507 = arith.constant 50 : i32
        %mul3A_508 = arith.muli %scan3A_72, %mul3A_507 : i32
        %add3A_509 = arith.constant 24 : i32
        %add3A_510 = arith.addi %mul3A_508, %add3A_509 : i32
        %get3A_511 = arith.index_cast %add3A_510 : i32 to index
        %get3A_512 = arith.constant 16 : index
        %get3A_513 = tpu.vector_load %arg8[%get3A_511, %get3A_512] {strides = array<i32>} : memref<1600x32xf32, #tpu.memory_space<vmem>>, vector<1x16xf32>,
        %get3A_514 = vector.shape_cast %get3A_513 : vector<1x16xf32> to vector<16xf32>
        %add3A_515 = arith.addf %add3A_497, %get3A_514 : vector<16xf32>
        %mul3A_516 = arith.constant 50 : i32
        %mul3A_517 = arith.muli %scan3A_72, %mul3A_516 : i32
        %add3A_518 = arith.constant 25 : i32
        %add3A_519 = arith.addi %mul3A_517, %add3A_518 : i32
        %get3A_520 = arith.index_cast %add3A_519 : i32 to index
        %get3A_521 = arith.constant 0 : index
        %get3A_522 = tpu.vector_load %arg8[%get3A_520, %get3A_521] {strides = array<i32>} : memref<1600x32xf32, #tpu.memory_space<vmem>>, vector<1x16xf32>,
        %get3A_523 = vector.shape_cast %get3A_522 : vector<1x16xf32> to vector<16xf32>
        %add3A_524 = arith.addf %add3A_506, %get3A_523 : vector<16xf32>
        %mul3A_525 = arith.constant 50 : i32
        %mul3A_526 = arith.muli %scan3A_72, %mul3A_525 : i32
        %add3A_527 = arith.constant 25 : i32
        %add3A_528 = arith.addi %mul3A_526, %add3A_527 : i32
        %get3A_529 = arith.index_cast %add3A_528 : i32 to index
        %get3A_530 = arith.constant 16 : index
        %get3A_531 = tpu.vector_load %arg8[%get3A_529, %get3A_530] {strides = array<i32>} : memref<1600x32xf32, #tpu.memory_space<vmem>>, vector<1x16xf32>,
        %get3A_532 = vector.shape_cast %get3A_531 : vector<1x16xf32> to vector<16xf32>
        %add3A_533 = arith.addf %add3A_515, %get3A_532 : vector<16xf32>
        %mul3A_534 = arith.constant 50 : i32
        %mul3A_535 = arith.muli %scan3A_72, %mul3A_534 : i32
        %add3A_536 = arith.constant 26 : i32
        %add3A_537 = arith.addi %mul3A_535, %add3A_536 : i32
        %get3A_538 = arith.index_cast %add3A_537 : i32 to index
        %get3A_539 = arith.constant 0 : index
        %get3A_540 = tpu.vector_load %arg8[%get3A_538, %get3A_539] {strides = array<i32>} : memref<1600x32xf32, #tpu.memory_space<vmem>>, vector<1x16xf32>,
        %get3A_541 = vector.shape_cast %get3A_540 : vector<1x16xf32> to vector<16xf32>
        %add3A_542 = arith.addf %add3A_524, %get3A_541 : vector<16xf32>
        %mul3A_543 = arith.constant 50 : i32
        %mul3A_544 = arith.muli %scan3A_72, %mul3A_543 : i32
        %add3A_545 = arith.constant 26 : i32
        %add3A_546 = arith.addi %mul3A_544, %add3A_545 : i32
        %get3A_547 = arith.index_cast %add3A_546 : i32 to index
        %get3A_548 = arith.constant 16 : index
        %get3A_549 = tpu.vector_load %arg8[%get3A_547, %get3A_548] {strides = array<i32>} : memref<1600x32xf32, #tpu.memory_space<vmem>>, vector<1x16xf32>,
        %get3A_550 = vector.shape_cast %get3A_549 : vector<1x16xf32> to vector<16xf32>
        %add3A_551 = arith.addf %add3A_533, %get3A_550 : vector<16xf32>
        %mul3A_552 = arith.constant 50 : i32
        %mul3A_553 = arith.muli %scan3A_72, %mul3A_552 : i32
        %add3A_554 = arith.constant 27 : i32
        %add3A_555 = arith.addi %mul3A_553, %add3A_554 : i32
        %get3A_556 = arith.index_cast %add3A_555 : i32 to index
        %get3A_557 = arith.constant 0 : index
        %get3A_558 = tpu.vector_load %arg8[%get3A_556, %get3A_557] {strides = array<i32>} : memref<1600x32xf32, #tpu.memory_space<vmem>>, vector<1x16xf32>,
        %get3A_559 = vector.shape_cast %get3A_558 : vector<1x16xf32> to vector<16xf32>
        %add3A_560 = arith.addf %add3A_542, %get3A_559 : vector<16xf32>
        %mul3A_561 = arith.constant 50 : i32
        %mul3A_562 = arith.muli %scan3A_72, %mul3A_561 : i32
        %add3A_563 = arith.constant 27 : i32
        %add3A_564 = arith.addi %mul3A_562, %add3A_563 : i32
        %get3A_565 = arith.index_cast %add3A_564 : i32 to index
        %get3A_566 = arith.constant 16 : index
        %get3A_567 = tpu.vector_load %arg8[%get3A_565, %get3A_566] {strides = array<i32>} : memref<1600x32xf32, #tpu.memory_space<vmem>>, vector<1x16xf32>,
        %get3A_568 = vector.shape_cast %get3A_567 : vector<1x16xf32> to vector<16xf32>
        %add3A_569 = arith.addf %add3A_551, %get3A_568 : vector<16xf32>
        %mul3A_570 = arith.constant 50 : i32
        %mul3A_571 = arith.muli %scan3A_72, %mul3A_570 : i32
        %add3A_572 = arith.constant 28 : i32
        %add3A_573 = arith.addi %mul3A_571, %add3A_572 : i32
        %get3A_574 = arith.index_cast %add3A_573 : i32 to index
        %get3A_575 = arith.constant 0 : index
        %get3A_576 = tpu.vector_load %arg8[%get3A_574, %get3A_575] {strides = array<i32>} : memref<1600x32xf32, #tpu.memory_space<vmem>>, vector<1x16xf32>,
        %get3A_577 = vector.shape_cast %get3A_576 : vector<1x16xf32> to vector<16xf32>
        %add3A_578 = arith.addf %add3A_560, %get3A_577 : vector<16xf32>
        %mul3A_579 = arith.constant 50 : i32
        %mul3A_580 = arith.muli %scan3A_72, %mul3A_579 : i32
        %add3A_581 = arith.constant 28 : i32
        %add3A_582 = arith.addi %mul3A_580, %add3A_581 : i32
        %get3A_583 = arith.index_cast %add3A_582 : i32 to index
        %get3A_584 = arith.constant 16 : index
        %get3A_585 = tpu.vector_load %arg8[%get3A_583, %get3A_584] {strides = array<i32>} : memref<1600x32xf32, #tpu.memory_space<vmem>>, vector<1x16xf32>,
        %get3A_586 = vector.shape_cast %get3A_585 : vector<1x16xf32> to vector<16xf32>
        %add3A_587 = arith.addf %add3A_569, %get3A_586 : vector<16xf32>
        %mul3A_588 = arith.constant 50 : i32
        %mul3A_589 = arith.muli %scan3A_72, %mul3A_588 : i32
        %add3A_590 = arith.constant 29 : i32
        %add3A_591 = arith.addi %mul3A_589, %add3A_590 : i32
        %get3A_592 = arith.index_cast %add3A_591 : i32 to index
        %get3A_593 = arith.constant 0 : index
        %get3A_594 = tpu.vector_load %arg8[%get3A_592, %get3A_593] {strides = array<i32>} : memref<1600x32xf32, #tpu.memory_space<vmem>>, vector<1x16xf32>,
        %get3A_595 = vector.shape_cast %get3A_594 : vector<1x16xf32> to vector<16xf32>
        %add3A_596 = arith.addf %add3A_578, %get3A_595 : vector<16xf32>
        %mul3A_597 = arith.constant 50 : i32
        %mul3A_598 = arith.muli %scan3A_72, %mul3A_597 : i32
        %add3A_599 = arith.constant 29 : i32
        %add3A_600 = arith.addi %mul3A_598, %add3A_599 : i32
        %get3A_601 = arith.index_cast %add3A_600 : i32 to index
        %get3A_602 = arith.constant 16 : index
        %get3A_603 = tpu.vector_load %arg8[%get3A_601, %get3A_602] {strides = array<i32>} : memref<1600x32xf32, #tpu.memory_space<vmem>>, vector<1x16xf32>,
        %get3A_604 = vector.shape_cast %get3A_603 : vector<1x16xf32> to vector<16xf32>
        %add3A_605 = arith.addf %add3A_587, %get3A_604 : vector<16xf32>
        %mul3A_606 = arith.constant 50 : i32
        %mul3A_607 = arith.muli %scan3A_72, %mul3A_606 : i32
        %add3A_608 = arith.constant 30 : i32
        %add3A_609 = arith.addi %mul3A_607, %add3A_608 : i32
        %get3A_610 = arith.index_cast %add3A_609 : i32 to index
        %get3A_611 = arith.constant 0 : index
        %get3A_612 = tpu.vector_load %arg8[%get3A_610, %get3A_611] {strides = array<i32>} : memref<1600x32xf32, #tpu.memory_space<vmem>>, vector<1x16xf32>,
        %get3A_613 = vector.shape_cast %get3A_612 : vector<1x16xf32> to vector<16xf32>
        %add3A_614 = arith.addf %add3A_596, %get3A_613 : vector<16xf32>
        %mul3A_615 = arith.constant 50 : i32
        %mul3A_616 = arith.muli %scan3A_72, %mul3A_615 : i32
        %add3A_617 = arith.constant 30 : i32
        %add3A_618 = arith.addi %mul3A_616, %add3A_617 : i32
        %get3A_619 = arith.index_cast %add3A_618 : i32 to index
        %get3A_620 = arith.constant 16 : index
        %get3A_621 = tpu.vector_load %arg8[%get3A_619, %get3A_620] {strides = array<i32>} : memref<1600x32xf32, #tpu.memory_space<vmem>>, vector<1x16xf32>,
        %get3A_622 = vector.shape_cast %get3A_621 : vector<1x16xf32> to vector<16xf32>
        %add3A_623 = arith.addf %add3A_605, %get3A_622 : vector<16xf32>
        %mul3A_624 = arith.constant 50 : i32
        %mul3A_625 = arith.muli %scan3A_72, %mul3A_624 : i32
        %add3A_626 = arith.constant 31 : i32
        %add3A_627 = arith.addi %mul3A_625, %add3A_626 : i32
        %get3A_628 = arith.index_cast %add3A_627 : i32 to index
        %get3A_629 = arith.constant 0 : index
        %get3A_630 = tpu.vector_load %arg8[%get3A_628, %get3A_629] {strides = array<i32>} : memref<1600x32xf32, #tpu.memory_space<vmem>>, vector<1x16xf32>,
        %get3A_631 = vector.shape_cast %get3A_630 : vector<1x16xf32> to vector<16xf32>
        %add3A_632 = arith.addf %add3A_614, %get3A_631 : vector<16xf32>
        %mul3A_633 = arith.constant 50 : i32
        %mul3A_634 = arith.muli %scan3A_72, %mul3A_633 : i32
        %add3A_635 = arith.constant 31 : i32
        %add3A_636 = arith.addi %mul3A_634, %add3A_635 : i32
        %get3A_637 = arith.index_cast %add3A_636 : i32 to index
        %get3A_638 = arith.constant 16 : index
        %get3A_639 = tpu.vector_load %arg8[%get3A_637, %get3A_638] {strides = array<i32>} : memref<1600x32xf32, #tpu.memory_space<vmem>>, vector<1x16xf32>,
        %get3A_640 = vector.shape_cast %get3A_639 : vector<1x16xf32> to vector<16xf32>
        %add3A_641 = arith.addf %add3A_623, %get3A_640 : vector<16xf32>
        %mul3A_642 = arith.constant 50 : i32
        %mul3A_643 = arith.muli %scan3A_72, %mul3A_642 : i32
        %add3A_644 = arith.constant 32 : i32
        %add3A_645 = arith.addi %mul3A_643, %add3A_644 : i32
        %get3A_646 = arith.index_cast %add3A_645 : i32 to index
        %get3A_647 = arith.constant 0 : index
        %get3A_648 = tpu.vector_load %arg8[%get3A_646, %get3A_647] {strides = array<i32>} : memref<1600x32xf32, #tpu.memory_space<vmem>>, vector<1x16xf32>,
        %get3A_649 = vector.shape_cast %get3A_648 : vector<1x16xf32> to vector<16xf32>
        %add3A_650 = arith.addf %add3A_632, %get3A_649 : vector<16xf32>
        %mul3A_651 = arith.constant 50 : i32
        %mul3A_652 = arith.muli %scan3A_72, %mul3A_651 : i32
        %add3A_653 = arith.constant 32 : i32
        %add3A_654 = arith.addi %mul3A_652, %add3A_653 : i32
        %get3A_655 = arith.index_cast %add3A_654 : i32 to index
        %get3A_656 = arith.constant 16 : index
        %get3A_657 = tpu.vector_load %arg8[%get3A_655, %get3A_656] {strides = array<i32>} : memref<1600x32xf32, #tpu.memory_space<vmem>>, vector<1x16xf32>,
        %get3A_658 = vector.shape_cast %get3A_657 : vector<1x16xf32> to vector<16xf32>
        %add3A_659 = arith.addf %add3A_641, %get3A_658 : vector<16xf32>
        %mul3A_660 = arith.constant 50 : i32
        %mul3A_661 = arith.muli %scan3A_72, %mul3A_660 : i32
        %add3A_662 = arith.constant 33 : i32
        %add3A_663 = arith.addi %mul3A_661, %add3A_662 : i32
        %get3A_664 = arith.index_cast %add3A_663 : i32 to index
        %get3A_665 = arith.constant 0 : index
        %get3A_666 = tpu.vector_load %arg8[%get3A_664, %get3A_665] {strides = array<i32>} : memref<1600x32xf32, #tpu.memory_space<vmem>>, vector<1x16xf32>,
        %get3A_667 = vector.shape_cast %get3A_666 : vector<1x16xf32> to vector<16xf32>
        %add3A_668 = arith.addf %add3A_650, %get3A_667 : vector<16xf32>
        %mul3A_669 = arith.constant 50 : i32
        %mul3A_670 = arith.muli %scan3A_72, %mul3A_669 : i32
        %add3A_671 = arith.constant 33 : i32
        %add3A_672 = arith.addi %mul3A_670, %add3A_671 : i32
        %get3A_673 = arith.index_cast %add3A_672 : i32 to index
        %get3A_674 = arith.constant 16 : index
        %get3A_675 = tpu.vector_load %arg8[%get3A_673, %get3A_674] {strides = array<i32>} : memref<1600x32xf32, #tpu.memory_space<vmem>>, vector<1x16xf32>,
        %get3A_676 = vector.shape_cast %get3A_675 : vector<1x16xf32> to vector<16xf32>
        %add3A_677 = arith.addf %add3A_659, %get3A_676 : vector<16xf32>
        %mul3A_678 = arith.constant 50 : i32
        %mul3A_679 = arith.muli %scan3A_72, %mul3A_678 : i32
        %add3A_680 = arith.constant 34 : i32
        %add3A_681 = arith.addi %mul3A_679, %add3A_680 : i32
        %get3A_682 = arith.index_cast %add3A_681 : i32 to index
        %get3A_683 = arith.constant 0 : index
        %get3A_684 = tpu.vector_load %arg8[%get3A_682, %get3A_683] {strides = array<i32>} : memref<1600x32xf32, #tpu.memory_space<vmem>>, vector<1x16xf32>,
        %get3A_685 = vector.shape_cast %get3A_684 : vector<1x16xf32> to vector<16xf32>
        %add3A_686 = arith.addf %add3A_668, %get3A_685 : vector<16xf32>
        %mul3A_687 = arith.constant 50 : i32
        %mul3A_688 = arith.muli %scan3A_72, %mul3A_687 : i32
        %add3A_689 = arith.constant 34 : i32
        %add3A_690 = arith.addi %mul3A_688, %add3A_689 : i32
        %get3A_691 = arith.index_cast %add3A_690 : i32 to index
        %get3A_692 = arith.constant 16 : index
        %get3A_693 = tpu.vector_load %arg8[%get3A_691, %get3A_692] {strides = array<i32>} : memref<1600x32xf32, #tpu.memory_space<vmem>>, vector<1x16xf32>,
        %get3A_694 = vector.shape_cast %get3A_693 : vector<1x16xf32> to vector<16xf32>
        %add3A_695 = arith.addf %add3A_677, %get3A_694 : vector<16xf32>
        %mul3A_696 = arith.constant 50 : i32
        %mul3A_697 = arith.muli %scan3A_72, %mul3A_696 : i32
        %add3A_698 = arith.constant 35 : i32
        %add3A_699 = arith.addi %mul3A_697, %add3A_698 : i32
        %get3A_700 = arith.index_cast %add3A_699 : i32 to index
        %get3A_701 = arith.constant 0 : index
        %get3A_702 = tpu.vector_load %arg8[%get3A_700, %get3A_701] {strides = array<i32>} : memref<1600x32xf32, #tpu.memory_space<vmem>>, vector<1x16xf32>,
        %get3A_703 = vector.shape_cast %get3A_702 : vector<1x16xf32> to vector<16xf32>
        %add3A_704 = arith.addf %add3A_686, %get3A_703 : vector<16xf32>
        %mul3A_705 = arith.constant 50 : i32
        %mul3A_706 = arith.muli %scan3A_72, %mul3A_705 : i32
        %add3A_707 = arith.constant 35 : i32
        %add3A_708 = arith.addi %mul3A_706, %add3A_707 : i32
        %get3A_709 = arith.index_cast %add3A_708 : i32 to index
        %get3A_710 = arith.constant 16 : index
        %get3A_711 = tpu.vector_load %arg8[%get3A_709, %get3A_710] {strides = array<i32>} : memref<1600x32xf32, #tpu.memory_space<vmem>>, vector<1x16xf32>,
        %get3A_712 = vector.shape_cast %get3A_711 : vector<1x16xf32> to vector<16xf32>
        %add3A_713 = arith.addf %add3A_695, %get3A_712 : vector<16xf32>
        %mul3A_714 = arith.constant 50 : i32
        %mul3A_715 = arith.muli %scan3A_72, %mul3A_714 : i32
        %add3A_716 = arith.constant 36 : i32
        %add3A_717 = arith.addi %mul3A_715, %add3A_716 : i32
        %get3A_718 = arith.index_cast %add3A_717 : i32 to index
        %get3A_719 = arith.constant 0 : index
        %get3A_720 = tpu.vector_load %arg8[%get3A_718, %get3A_719] {strides = array<i32>} : memref<1600x32xf32, #tpu.memory_space<vmem>>, vector<1x16xf32>,
        %get3A_721 = vector.shape_cast %get3A_720 : vector<1x16xf32> to vector<16xf32>
        %add3A_722 = arith.addf %add3A_704, %get3A_721 : vector<16xf32>
        %mul3A_723 = arith.constant 50 : i32
        %mul3A_724 = arith.muli %scan3A_72, %mul3A_723 : i32
        %add3A_725 = arith.constant 36 : i32
        %add3A_726 = arith.addi %mul3A_724, %add3A_725 : i32
        %get3A_727 = arith.index_cast %add3A_726 : i32 to index
        %get3A_728 = arith.constant 16 : index
        %get3A_729 = tpu.vector_load %arg8[%get3A_727, %get3A_728] {strides = array<i32>} : memref<1600x32xf32, #tpu.memory_space<vmem>>, vector<1x16xf32>,
        %get3A_730 = vector.shape_cast %get3A_729 : vector<1x16xf32> to vector<16xf32>
        %add3A_731 = arith.addf %add3A_713, %get3A_730 : vector<16xf32>
        %mul3A_732 = arith.constant 50 : i32
        %mul3A_733 = arith.muli %scan3A_72, %mul3A_732 : i32
        %add3A_734 = arith.constant 37 : i32
        %add3A_735 = arith.addi %mul3A_733, %add3A_734 : i32
        %get3A_736 = arith.index_cast %add3A_735 : i32 to index
        %get3A_737 = arith.constant 0 : index
        %get3A_738 = tpu.vector_load %arg8[%get3A_736, %get3A_737] {strides = array<i32>} : memref<1600x32xf32, #tpu.memory_space<vmem>>, vector<1x16xf32>,
        %get3A_739 = vector.shape_cast %get3A_738 : vector<1x16xf32> to vector<16xf32>
        %add3A_740 = arith.addf %add3A_722, %get3A_739 : vector<16xf32>
        %mul3A_741 = arith.constant 50 : i32
        %mul3A_742 = arith.muli %scan3A_72, %mul3A_741 : i32
        %add3A_743 = arith.constant 37 : i32
        %add3A_744 = arith.addi %mul3A_742, %add3A_743 : i32
        %get3A_745 = arith.index_cast %add3A_744 : i32 to index
        %get3A_746 = arith.constant 16 : index
        %get3A_747 = tpu.vector_load %arg8[%get3A_745, %get3A_746] {strides = array<i32>} : memref<1600x32xf32, #tpu.memory_space<vmem>>, vector<1x16xf32>,
        %get3A_748 = vector.shape_cast %get3A_747 : vector<1x16xf32> to vector<16xf32>
        %add3A_749 = arith.addf %add3A_731, %get3A_748 : vector<16xf32>
        %mul3A_750 = arith.constant 50 : i32
        %mul3A_751 = arith.muli %scan3A_72, %mul3A_750 : i32
        %add3A_752 = arith.constant 38 : i32
        %add3A_753 = arith.addi %mul3A_751, %add3A_752 : i32
        %get3A_754 = arith.index_cast %add3A_753 : i32 to index
        %get3A_755 = arith.constant 0 : index
        %get3A_756 = tpu.vector_load %arg8[%get3A_754, %get3A_755] {strides = array<i32>} : memref<1600x32xf32, #tpu.memory_space<vmem>>, vector<1x16xf32>,
        %get3A_757 = vector.shape_cast %get3A_756 : vector<1x16xf32> to vector<16xf32>
        %add3A_758 = arith.addf %add3A_740, %get3A_757 : vector<16xf32>
        %mul3A_759 = arith.constant 50 : i32
        %mul3A_760 = arith.muli %scan3A_72, %mul3A_759 : i32
        %add3A_761 = arith.constant 38 : i32
        %add3A_762 = arith.addi %mul3A_760, %add3A_761 : i32
        %get3A_763 = arith.index_cast %add3A_762 : i32 to index
        %get3A_764 = arith.constant 16 : index
        %get3A_765 = tpu.vector_load %arg8[%get3A_763, %get3A_764] {strides = array<i32>} : memref<1600x32xf32, #tpu.memory_space<vmem>>, vector<1x16xf32>,
        %get3A_766 = vector.shape_cast %get3A_765 : vector<1x16xf32> to vector<16xf32>
        %add3A_767 = arith.addf %add3A_749, %get3A_766 : vector<16xf32>
        %mul3A_768 = arith.constant 50 : i32
        %mul3A_769 = arith.muli %scan3A_72, %mul3A_768 : i32
        %add3A_770 = arith.constant 39 : i32
        %add3A_771 = arith.addi %mul3A_769, %add3A_770 : i32
        %get3A_772 = arith.index_cast %add3A_771 : i32 to index
        %get3A_773 = arith.constant 0 : index
        %get3A_774 = tpu.vector_load %arg8[%get3A_772, %get3A_773] {strides = array<i32>} : memref<1600x32xf32, #tpu.memory_space<vmem>>, vector<1x16xf32>,
        %get3A_775 = vector.shape_cast %get3A_774 : vector<1x16xf32> to vector<16xf32>
        %add3A_776 = arith.addf %add3A_758, %get3A_775 : vector<16xf32>
        %mul3A_777 = arith.constant 50 : i32
        %mul3A_778 = arith.muli %scan3A_72, %mul3A_777 : i32
        %add3A_779 = arith.constant 39 : i32
        %add3A_780 = arith.addi %mul3A_778, %add3A_779 : i32
        %get3A_781 = arith.index_cast %add3A_780 : i32 to index
        %get3A_782 = arith.constant 16 : index
        %get3A_783 = tpu.vector_load %arg8[%get3A_781, %get3A_782] {strides = array<i32>} : memref<1600x32xf32, #tpu.memory_space<vmem>>, vector<1x16xf32>,
        %get3A_784 = vector.shape_cast %get3A_783 : vector<1x16xf32> to vector<16xf32>
        %add3A_785 = arith.addf %add3A_767, %get3A_784 : vector<16xf32>
        %mul3A_786 = arith.constant 50 : i32
        %mul3A_787 = arith.muli %scan3A_72, %mul3A_786 : i32
        %add3A_788 = arith.constant 40 : i32
        %add3A_789 = arith.addi %mul3A_787, %add3A_788 : i32
        %get3A_790 = arith.index_cast %add3A_789 : i32 to index
        %get3A_791 = arith.constant 0 : index
        %get3A_792 = tpu.vector_load %arg8[%get3A_790, %get3A_791] {strides = array<i32>} : memref<1600x32xf32, #tpu.memory_space<vmem>>, vector<1x16xf32>,
        %get3A_793 = vector.shape_cast %get3A_792 : vector<1x16xf32> to vector<16xf32>
        %add3A_794 = arith.addf %add3A_776, %get3A_793 : vector<16xf32>
        %mul3A_795 = arith.constant 50 : i32
        %mul3A_796 = arith.muli %scan3A_72, %mul3A_795 : i32
        %add3A_797 = arith.constant 40 : i32
        %add3A_798 = arith.addi %mul3A_796, %add3A_797 : i32
        %get3A_799 = arith.index_cast %add3A_798 : i32 to index
        %get3A_800 = arith.constant 16 : index
        %get3A_801 = tpu.vector_load %arg8[%get3A_799, %get3A_800] {strides = array<i32>} : memref<1600x32xf32, #tpu.memory_space<vmem>>, vector<1x16xf32>,
        %get3A_802 = vector.shape_cast %get3A_801 : vector<1x16xf32> to vector<16xf32>
        %add3A_803 = arith.addf %add3A_785, %get3A_802 : vector<16xf32>
        %mul3A_804 = arith.constant 50 : i32
        %mul3A_805 = arith.muli %scan3A_72, %mul3A_804 : i32
        %add3A_806 = arith.constant 41 : i32
        %add3A_807 = arith.addi %mul3A_805, %add3A_806 : i32
        %get3A_808 = arith.index_cast %add3A_807 : i32 to index
        %get3A_809 = arith.constant 0 : index
        %get3A_810 = tpu.vector_load %arg8[%get3A_808, %get3A_809] {strides = array<i32>} : memref<1600x32xf32, #tpu.memory_space<vmem>>, vector<1x16xf32>,
        %get3A_811 = vector.shape_cast %get3A_810 : vector<1x16xf32> to vector<16xf32>
        %add3A_812 = arith.addf %add3A_794, %get3A_811 : vector<16xf32>
        %mul3A_813 = arith.constant 50 : i32
        %mul3A_814 = arith.muli %scan3A_72, %mul3A_813 : i32
        %add3A_815 = arith.constant 41 : i32
        %add3A_816 = arith.addi %mul3A_814, %add3A_815 : i32
        %get3A_817 = arith.index_cast %add3A_816 : i32 to index
        %get3A_818 = arith.constant 16 : index
        %get3A_819 = tpu.vector_load %arg8[%get3A_817, %get3A_818] {strides = array<i32>} : memref<1600x32xf32, #tpu.memory_space<vmem>>, vector<1x16xf32>,
        %get3A_820 = vector.shape_cast %get3A_819 : vector<1x16xf32> to vector<16xf32>
        %add3A_821 = arith.addf %add3A_803, %get3A_820 : vector<16xf32>
        %mul3A_822 = arith.constant 50 : i32
        %mul3A_823 = arith.muli %scan3A_72, %mul3A_822 : i32
        %add3A_824 = arith.constant 42 : i32
        %add3A_825 = arith.addi %mul3A_823, %add3A_824 : i32
        %get3A_826 = arith.index_cast %add3A_825 : i32 to index
        %get3A_827 = arith.constant 0 : index
        %get3A_828 = tpu.vector_load %arg8[%get3A_826, %get3A_827] {strides = array<i32>} : memref<1600x32xf32, #tpu.memory_space<vmem>>, vector<1x16xf32>,
        %get3A_829 = vector.shape_cast %get3A_828 : vector<1x16xf32> to vector<16xf32>
        %add3A_830 = arith.addf %add3A_812, %get3A_829 : vector<16xf32>
        %mul3A_831 = arith.constant 50 : i32
        %mul3A_832 = arith.muli %scan3A_72, %mul3A_831 : i32
        %add3A_833 = arith.constant 42 : i32
        %add3A_834 = arith.addi %mul3A_832, %add3A_833 : i32
        %get3A_835 = arith.index_cast %add3A_834 : i32 to index
        %get3A_836 = arith.constant 16 : index
        %get3A_837 = tpu.vector_load %arg8[%get3A_835, %get3A_836] {strides = array<i32>} : memref<1600x32xf32, #tpu.memory_space<vmem>>, vector<1x16xf32>,
        %get3A_838 = vector.shape_cast %get3A_837 : vector<1x16xf32> to vector<16xf32>
        %add3A_839 = arith.addf %add3A_821, %get3A_838 : vector<16xf32>
        %mul3A_840 = arith.constant 50 : i32
        %mul3A_841 = arith.muli %scan3A_72, %mul3A_840 : i32
        %add3A_842 = arith.constant 43 : i32
        %add3A_843 = arith.addi %mul3A_841, %add3A_842 : i32
        %get3A_844 = arith.index_cast %add3A_843 : i32 to index
        %get3A_845 = arith.constant 0 : index
        %get3A_846 = tpu.vector_load %arg8[%get3A_844, %get3A_845] {strides = array<i32>} : memref<1600x32xf32, #tpu.memory_space<vmem>>, vector<1x16xf32>,
        %get3A_847 = vector.shape_cast %get3A_846 : vector<1x16xf32> to vector<16xf32>
        %add3A_848 = arith.addf %add3A_830, %get3A_847 : vector<16xf32>
        %mul3A_849 = arith.constant 50 : i32
        %mul3A_850 = arith.muli %scan3A_72, %mul3A_849 : i32
        %add3A_851 = arith.constant 43 : i32
        %add3A_852 = arith.addi %mul3A_850, %add3A_851 : i32
        %get3A_853 = arith.index_cast %add3A_852 : i32 to index
        %get3A_854 = arith.constant 16 : index
        %get3A_855 = tpu.vector_load %arg8[%get3A_853, %get3A_854] {strides = array<i32>} : memref<1600x32xf32, #tpu.memory_space<vmem>>, vector<1x16xf32>,
        %get3A_856 = vector.shape_cast %get3A_855 : vector<1x16xf32> to vector<16xf32>
        %add3A_857 = arith.addf %add3A_839, %get3A_856 : vector<16xf32>
        %mul3A_858 = arith.constant 50 : i32
        %mul3A_859 = arith.muli %scan3A_72, %mul3A_858 : i32
        %add3A_860 = arith.constant 44 : i32
        %add3A_861 = arith.addi %mul3A_859, %add3A_860 : i32
        %get3A_862 = arith.index_cast %add3A_861 : i32 to index
        %get3A_863 = arith.constant 0 : index
        %get3A_864 = tpu.vector_load %arg8[%get3A_862, %get3A_863] {strides = array<i32>} : memref<1600x32xf32, #tpu.memory_space<vmem>>, vector<1x16xf32>,
        %get3A_865 = vector.shape_cast %get3A_864 : vector<1x16xf32> to vector<16xf32>
        %add3A_866 = arith.addf %add3A_848, %get3A_865 : vector<16xf32>
        %mul3A_867 = arith.constant 50 : i32
        %mul3A_868 = arith.muli %scan3A_72, %mul3A_867 : i32
        %add3A_869 = arith.constant 44 : i32
        %add3A_870 = arith.addi %mul3A_868, %add3A_869 : i32
        %get3A_871 = arith.index_cast %add3A_870 : i32 to index
        %get3A_872 = arith.constant 16 : index
        %get3A_873 = tpu.vector_load %arg8[%get3A_871, %get3A_872] {strides = array<i32>} : memref<1600x32xf32, #tpu.memory_space<vmem>>, vector<1x16xf32>,
        %get3A_874 = vector.shape_cast %get3A_873 : vector<1x16xf32> to vector<16xf32>
        %add3A_875 = arith.addf %add3A_857, %get3A_874 : vector<16xf32>
        %mul3A_876 = arith.constant 50 : i32
        %mul3A_877 = arith.muli %scan3A_72, %mul3A_876 : i32
        %add3A_878 = arith.constant 45 : i32
        %add3A_879 = arith.addi %mul3A_877, %add3A_878 : i32
        %get3A_880 = arith.index_cast %add3A_879 : i32 to index
        %get3A_881 = arith.constant 0 : index
        %get3A_882 = tpu.vector_load %arg8[%get3A_880, %get3A_881] {strides = array<i32>} : memref<1600x32xf32, #tpu.memory_space<vmem>>, vector<1x16xf32>,
        %get3A_883 = vector.shape_cast %get3A_882 : vector<1x16xf32> to vector<16xf32>
        %add3A_884 = arith.addf %add3A_866, %get3A_883 : vector<16xf32>
        %mul3A_885 = arith.constant 50 : i32
        %mul3A_886 = arith.muli %scan3A_72, %mul3A_885 : i32
        %add3A_887 = arith.constant 45 : i32
        %add3A_888 = arith.addi %mul3A_886, %add3A_887 : i32
        %get3A_889 = arith.index_cast %add3A_888 : i32 to index
        %get3A_890 = arith.constant 16 : index
        %get3A_891 = tpu.vector_load %arg8[%get3A_889, %get3A_890] {strides = array<i32>} : memref<1600x32xf32, #tpu.memory_space<vmem>>, vector<1x16xf32>,
        %get3A_892 = vector.shape_cast %get3A_891 : vector<1x16xf32> to vector<16xf32>
        %add3A_893 = arith.addf %add3A_875, %get3A_892 : vector<16xf32>
        %mul3A_894 = arith.constant 50 : i32
        %mul3A_895 = arith.muli %scan3A_72, %mul3A_894 : i32
        %add3A_896 = arith.constant 46 : i32
        %add3A_897 = arith.addi %mul3A_895, %add3A_896 : i32
        %get3A_898 = arith.index_cast %add3A_897 : i32 to index
        %get3A_899 = arith.constant 0 : index
        %get3A_900 = tpu.vector_load %arg8[%get3A_898, %get3A_899] {strides = array<i32>} : memref<1600x32xf32, #tpu.memory_space<vmem>>, vector<1x16xf32>,
        %get3A_901 = vector.shape_cast %get3A_900 : vector<1x16xf32> to vector<16xf32>
        %add3A_902 = arith.addf %add3A_884, %get3A_901 : vector<16xf32>
        %mul3A_903 = arith.constant 50 : i32
        %mul3A_904 = arith.muli %scan3A_72, %mul3A_903 : i32
        %add3A_905 = arith.constant 46 : i32
        %add3A_906 = arith.addi %mul3A_904, %add3A_905 : i32
        %get3A_907 = arith.index_cast %add3A_906 : i32 to index
        %get3A_908 = arith.constant 16 : index
        %get3A_909 = tpu.vector_load %arg8[%get3A_907, %get3A_908] {strides = array<i32>} : memref<1600x32xf32, #tpu.memory_space<vmem>>, vector<1x16xf32>,
        %get3A_910 = vector.shape_cast %get3A_909 : vector<1x16xf32> to vector<16xf32>
        %add3A_911 = arith.addf %add3A_893, %get3A_910 : vector<16xf32>
        %mul3A_912 = arith.constant 50 : i32
        %mul3A_913 = arith.muli %scan3A_72, %mul3A_912 : i32
        %add3A_914 = arith.constant 47 : i32
        %add3A_915 = arith.addi %mul3A_913, %add3A_914 : i32
        %get3A_916 = arith.index_cast %add3A_915 : i32 to index
        %get3A_917 = arith.constant 0 : index
        %get3A_918 = tpu.vector_load %arg8[%get3A_916, %get3A_917] {strides = array<i32>} : memref<1600x32xf32, #tpu.memory_space<vmem>>, vector<1x16xf32>,
        %get3A_919 = vector.shape_cast %get3A_918 : vector<1x16xf32> to vector<16xf32>
        %add3A_920 = arith.addf %add3A_902, %get3A_919 : vector<16xf32>
        %mul3A_921 = arith.constant 50 : i32
        %mul3A_922 = arith.muli %scan3A_72, %mul3A_921 : i32
        %add3A_923 = arith.constant 47 : i32
        %add3A_924 = arith.addi %mul3A_922, %add3A_923 : i32
        %get3A_925 = arith.index_cast %add3A_924 : i32 to index
        %get3A_926 = arith.constant 16 : index
        %get3A_927 = tpu.vector_load %arg8[%get3A_925, %get3A_926] {strides = array<i32>} : memref<1600x32xf32, #tpu.memory_space<vmem>>, vector<1x16xf32>,
        %get3A_928 = vector.shape_cast %get3A_927 : vector<1x16xf32> to vector<16xf32>
        %add3A_929 = arith.addf %add3A_911, %get3A_928 : vector<16xf32>
        %mul3A_930 = arith.constant 50 : i32
        %mul3A_931 = arith.muli %scan3A_72, %mul3A_930 : i32
        %add3A_932 = arith.constant 48 : i32
        %add3A_933 = arith.addi %mul3A_931, %add3A_932 : i32
        %get3A_934 = arith.index_cast %add3A_933 : i32 to index
        %get3A_935 = arith.constant 0 : index
        %get3A_936 = tpu.vector_load %arg8[%get3A_934, %get3A_935] {strides = array<i32>} : memref<1600x32xf32, #tpu.memory_space<vmem>>, vector<1x16xf32>,
        %get3A_937 = vector.shape_cast %get3A_936 : vector<1x16xf32> to vector<16xf32>
        %add3A_938 = arith.addf %add3A_920, %get3A_937 : vector<16xf32>
        %mul3A_939 = arith.constant 50 : i32
        %mul3A_940 = arith.muli %scan3A_72, %mul3A_939 : i32
        %add3A_941 = arith.constant 48 : i32
        %add3A_942 = arith.addi %mul3A_940, %add3A_941 : i32
        %get3A_943 = arith.index_cast %add3A_942 : i32 to index
        %get3A_944 = arith.constant 16 : index
        %get3A_945 = tpu.vector_load %arg8[%get3A_943, %get3A_944] {strides = array<i32>} : memref<1600x32xf32, #tpu.memory_space<vmem>>, vector<1x16xf32>,
        %get3A_946 = vector.shape_cast %get3A_945 : vector<1x16xf32> to vector<16xf32>
        %add3A_947 = arith.addf %add3A_929, %get3A_946 : vector<16xf32>
        %mul3A_948 = arith.constant 50 : i32
        %mul3A_949 = arith.muli %scan3A_72, %mul3A_948 : i32
        %add3A_950 = arith.constant 49 : i32
        %add3A_951 = arith.addi %mul3A_949, %add3A_950 : i32
        %get3A_952 = arith.index_cast %add3A_951 : i32 to index
        %get3A_953 = arith.constant 0 : index
        %get3A_954 = tpu.vector_load %arg8[%get3A_952, %get3A_953] {strides = array<i32>} : memref<1600x32xf32, #tpu.memory_space<vmem>>, vector<1x16xf32>,
        %get3A_955 = vector.shape_cast %get3A_954 : vector<1x16xf32> to vector<16xf32>
        %add3A_956 = arith.addf %add3A_938, %get3A_955 : vector<16xf32>
        %mul3A_957 = arith.constant 50 : i32
        %mul3A_958 = arith.muli %scan3A_72, %mul3A_957 : i32
        %add3A_959 = arith.constant 49 : i32
        %add3A_960 = arith.addi %mul3A_958, %add3A_959 : i32
        %get3A_961 = arith.index_cast %add3A_960 : i32 to index
        %get3A_962 = arith.constant 16 : index
        %get3A_963 = tpu.vector_load %arg8[%get3A_961, %get3A_962] {strides = array<i32>} : memref<1600x32xf32, #tpu.memory_space<vmem>>, vector<1x16xf32>,
        %get3A_964 = vector.shape_cast %get3A_963 : vector<1x16xf32> to vector<16xf32>
        %add3A_965 = arith.addf %add3A_947, %get3A_964 : vector<16xf32>
        %mul3A_966 = arith.constant 2.000000e-02 : f32
        %mul3A_967 = vector.broadcast %mul3A_966 : f32 to vector<16xf32>
        %mul3A_968 = arith.mulf %add3A_956, %mul3A_967 : vector<16xf32>
        %swap3A = arith.index_cast %scan3A_72 : i32 to index
        %swap3A_969 = arith.constant 0 : index
        %swap3A_970 = tpu.vector_load %arg10[%swap3A, %swap3A_969] {strides = array<i32>} : memref<32x32xf32, #tpu.memory_space<vmem>>, vector<1x16xf32>,
        %swap3A_971 = vector.shape_cast %swap3A_970 : vector<1x16xf32> to vector<16xf32>
        %swap3A_972 = vector.shape_cast %mul3A_968 : vector<16xf32> to vector<1x16xf32>
        tpu.vector_store %arg10[%swap3A, %swap3A_969], %swap3A_972 {strides = array<i32>} : memref<32x32xf32, #tpu.memory_space<vmem>>, vector<1x16xf32>,
        %mul3A_973 = arith.constant 2.000000e-02 : f32
        %mul3A_974 = vector.broadcast %mul3A_973 : f32 to vector<16xf32>
        %mul3A_975 = arith.mulf %add3A_965, %mul3A_974 : vector<16xf32>
        %swap3A_976 = arith.index_cast %scan3A_72 : i32 to index
        %swap3A_977 = arith.constant 16 : index
        %swap3A_978 = tpu.vector_load %arg10[%swap3A_976, %swap3A_977] {strides = array<i32>} : memref<32x32xf32, #tpu.memory_space<vmem>>, vector<1x16xf32>,
        %swap3A_979 = vector.shape_cast %swap3A_978 : vector<1x16xf32> to vector<16xf32>
        %swap3A_980 = vector.shape_cast %mul3A_975 : vector<16xf32> to vector<1x16xf32>
        tpu.vector_store %arg10[%swap3A_976, %swap3A_977], %swap3A_980 {strides = array<i32>} : memref<32x32xf32, #tpu.memory_space<vmem>>, vector<1x16xf32>,
      }
      %scan3A_57 = arith.constant 32 : i32
      %mul3A_58 = arith.constant 512 : i32
      %mul3A_59 = arith.muli %add3A, %mul3A_58 : i32
      %mul3A_60 = arith.constant 32 : i32
      %mul3A_61 = arith.muli %add3A_48, %mul3A_60 : i32
      %add3A_62 = arith.addi %mul3A_59, %mul3A_61 : i32
      "tpu.region"() ({
        %run_scoped3A = tpu.sem_alloc : memref<!tpu.dma_semaphore, #tpu.memory_space<semaphore_mem>>
        %dma_start3A_72 = arith.constant 0 : i32
        %dma_start3A_73 = tpu.memref_slice %arg4[%add3A_62, %dma_start3A_72] : memref<16384x32xf32, #tpu.memory_space<hbm>> -> memref<32x32xf32, #tpu.memory_space<hbm>>
        %dma_start3A_74 = arith.constant 0 : i32
        %dma_start3A_75 = tpu.memref_slice %arg4[%add3A_62, %dma_start3A_74] : memref<16384x32xf32, #tpu.memory_space<hbm>> -> memref<32x32xf32, #tpu.memory_space<hbm>>
        tpu.enqueue_dma source(%arg10 : memref<32x32xf32, #tpu.memory_space<vmem>>) target(%dma_start3A_75 : memref<32x32xf32, #tpu.memory_space<hbm>>) target_semaphore(%run_scoped3A : memref<!tpu.dma_semaphore, #tpu.memory_space<semaphore_mem>>)
        %dma_wait3A_76 = arith.constant 0 : i32
        %dma_wait3A_77 = tpu.memref_slice %arg4[%add3A_62, %dma_wait3A_76] : memref<16384x32xf32, #tpu.memory_space<hbm>> -> memref<32x32xf32, #tpu.memory_space<hbm>>
        %dma_wait3A_78 = arith.constant 0 : i32
        %dma_wait3A_79 = tpu.memref_slice %arg4[%add3A_62, %dma_wait3A_78] : memref<16384x32xf32, #tpu.memory_space<hbm>> -> memref<32x32xf32, #tpu.memory_space<hbm>>
        tpu.wait_dma2 semaphore(%run_scoped3A : memref<!tpu.dma_semaphore, #tpu.memory_space<semaphore_mem>>) src(%arg10 : memref<32x32xf32, #tpu.memory_space<vmem>>) dst(%dma_wait3A_79 : memref<32x32xf32, #tpu.memory_space<hbm>>)
        tpu.yield
      }) : () -> ()
      %add3A_63 = arith.constant 1 : i32
      %add3A_64 = arith.addi %mul3A_25, %add3A_63 : i32
      %add3A_65 = arith.constant 2 : i32
      %add3A_66 = arith.addi %add3A_64, %add3A_65 : i32
      %lt3A_67 = arith.constant 16 : i32
      %lt3A_68 = arith.cmpi slt, %add3A_66, %lt3A_67 : i32
      %convert_element_type3A_69 = arith.extui %lt3A_68 : i1 to i32
      %cond3A_70 = arith.constant 0 : i32
      %cond3A_71 = arith.cmpi ne, %convert_element_type3A_69, %cond3A_70 : i32
      scf.if %cond3A_71 {
        %add3A_72 = arith.constant 1 : i32
        %add3A_73 = arith.addi %mul3A_25, %add3A_72 : i32
        %add3A_74 = arith.constant 2 : i32
        %add3A_75 = arith.addi %add3A_73, %add3A_74 : i32
        %mul3A_76 = arith.constant 512 : i32
        %mul3A_77 = arith.muli %add3A, %mul3A_76 : i32
        %mul3A_78 = arith.constant 32 : i32
        %mul3A_79 = arith.muli %add3A_75, %mul3A_78 : i32
        %add3A_80 = arith.addi %mul3A_77, %mul3A_79 : i32
        %mul3A_81 = arith.constant 50 : i32
        %mul3A_82 = arith.muli %add3A_80, %mul3A_81 : i32
        "tpu.region"() ({
          %run_scoped3A = tpu.sem_alloc : memref<!tpu.dma_semaphore, #tpu.memory_space<semaphore_mem>>
          %dma_start3A_86 = tpu.memref_slice %arg2[%mul3A_82] : memref<819200xi32, #tpu.memory_space<hbm>> -> memref<1600xi32, #tpu.memory_space<hbm>>
          %dma_start3A_87 = tpu.memref_slice %arg2[%mul3A_82] : memref<819200xi32, #tpu.memory_space<hbm>> -> memref<1600xi32, #tpu.memory_space<hbm>>
          tpu.enqueue_dma source(%dma_start3A_87 : memref<1600xi32, #tpu.memory_space<hbm>>) target(%arg6 : memref<1600xi32, #tpu.memory_space<vmem>>) target_semaphore(%run_scoped3A : memref<!tpu.dma_semaphore, #tpu.memory_space<semaphore_mem>>)
          %dma_wait3A_88 = tpu.memref_slice %arg2[%mul3A_82] : memref<819200xi32, #tpu.memory_space<hbm>> -> memref<1600xi32, #tpu.memory_space<hbm>>
          %dma_wait3A_89 = tpu.memref_slice %arg2[%mul3A_82] : memref<819200xi32, #tpu.memory_space<hbm>> -> memref<1600xi32, #tpu.memory_space<hbm>>
          tpu.wait_dma2 semaphore(%run_scoped3A : memref<!tpu.dma_semaphore, #tpu.memory_space<semaphore_mem>>) src(%dma_wait3A_89 : memref<1600xi32, #tpu.memory_space<hbm>>) dst(%arg6 : memref<1600xi32, #tpu.memory_space<vmem>>)
          tpu.yield
        }) : () -> ()
        %dma_start3A_83 = arith.constant 0 : i32
        %dma_start3A_84 = arith.constant 0 : i32
        %dma_start3A_85 = tpu.memref_slice %arg3[%dma_start3A_83, %dma_start3A_84] : memref<1048576x32xf32, #tpu.memory_space<hbm>> -> memref<1048576x32xf32, #tpu.memory_space<hbm>>
        tpu.enqueue_indirect_dma source(%dma_start3A_85 : memref<1048576x32xf32, #tpu.memory_space<hbm>>) target(%arg8 : memref<1600x32xf32, #tpu.memory_space<vmem>>) offsets(%arg6 : memref<1600xi32, #tpu.memory_space<vmem>>) semaphore(%arg12 : memref<!tpu.dma_semaphore, #tpu.memory_space<semaphore_mem>>)
      } else {
      }
    }
    %scan3A_22 = arith.constant 8 : i32
    return
  }
}

module attributes {stable_mosaic.version = 14 : i64} {
  func.func @_transpose_body(%arg0: i32, %arg1: memref<32x65536xf32, #tpu.memory_space<vmem>>, %arg2: memref<16384x128xf32, #tpu.memory_space<vmem>>) attributes {dimension_semantics = [#tpu.dimension_semantics<arbitrary>], iteration_bounds = array<i64: 16>, scalar_prefetch = 0 : i64, scratch_operands = 0 : i64, tpu.core_type = #tpu.core_type<tc>, window_params = [{transform_indices = @transform_0, window_bounds = array<i64: 32, 65536>}, {transform_indices = @transform_1, window_bounds = array<i64: 16384, 128>}]} {
    %get3A = arith.constant 0 : index
    %get3A_0 = arith.constant 0 : index
    %get3A_1 = vector.load %arg1[%get3A, %get3A_0] : memref<32x65536xf32, #tpu.memory_space<vmem>>, vector<32x65536xf32>
    %slice3A = vector.extract_strided_slice %get3A_1 {offsets = [0, 0], sizes = [32, 16384], strides = [1, 1]} : vector<32x65536xf32> to vector<32x16384xf32>
    %slice3A_2 = vector.extract_strided_slice %get3A_1 {offsets = [0, 16384], sizes = [32, 16384], strides = [1, 1]} : vector<32x65536xf32> to vector<32x16384xf32>
    %slice3A_3 = vector.extract_strided_slice %get3A_1 {offsets = [0, 32768], sizes = [32, 16384], strides = [1, 1]} : vector<32x65536xf32> to vector<32x16384xf32>
    %slice3A_4 = vector.extract_strided_slice %get3A_1 {offsets = [0, 49152], sizes = [32, 16384], strides = [1, 1]} : vector<32x65536xf32> to vector<32x16384xf32>
    %concatenate3A = tpu.concatenate %slice3A, %slice3A_2, %slice3A_3, %slice3A_4 in 0 : vector<32x16384xf32>, vector<32x16384xf32>, vector<32x16384xf32>, vector<32x16384xf32> -> vector<128x16384xf32>
    %transpose3A = tpu.transpose %concatenate3A, [1, 0] : vector<128x16384xf32> -> vector<16384x128xf32>
    %swap3A = arith.constant 0 : index
    %swap3A_5 = arith.constant 0 : index
    %swap3A_6 = vector.load %arg2[%swap3A, %swap3A_5] : memref<16384x128xf32, #tpu.memory_space<vmem>>, vector<16384x128xf32>
    tpu.vector_store %arg2[%swap3A, %swap3A_5], %transpose3A {strides = array<i32>} : memref<16384x128xf32, #tpu.memory_space<vmem>>, vector<16384x128xf32>,
    return
  }
  func.func @transform_0(%arg0: i32) -> (i32, i32) {
    %c0_i32 = arith.constant 0 : i32
    %c0_i32_0 = arith.constant 0 : i32
    return %c0_i32, %arg0 : i32, i32
  }
  func.func @transform_1(%arg0: i32) -> (i32, i32) {
    %c0_i32 = arith.constant 0 : i32
    %c0_i32_0 = arith.constant 0 : i32
    return %arg0, %c0_i32 : i32, i32
  }
}

</mosaic_0001>

<sc_bundles>
// kernel: kernel.4.cloned.1.call-start
scs
__scs_entry_jumppad:
0x0: {  	(pc) =	sbr.rel $0x88, $3  }
0x1: {  	(tag) =	ssettag $0x0;
	lr =	simm.s32 $0x1  }
0x2: {  	[smem:$0x3F9F] =	sst lr;
	_ =	strace $0xD0000000  }
0x3: {  	_ = 	snop  }
0x4: {  	_ = 	snop  }
0x5: {  	_ = 	snop  }
0x6: {  	_ = 	snop  }
0x7: {  	_ = 	snop  }
__scs_overlays_trampoline_lowered:
0x8: {  	[smem:$0x3FAE] =	sst s0  }
0x9: {  	[smem:$0x3FAF] =	sst s1  }
0xa: {  	[smem:$0x3FB0] =	sst s2  }
0xb: {  	[smem:$0x3FB1] =	sst s3  }
0xc: {  	[smem:$0x3FB2] =	sst s4  }
0xd: {  	[smem:$0x3FB3] =	sst s5  }
0xe: {  	[smem:$0x3FB4] =	sst s6  }
0xf: {  	[smem:$0x3FB5] =	sst s7  }
0x10: {  	[smem:$0x3FB6] =	sst s8  }
0x11: {  	[smem:$0x3FB7] =	sst s9;
	s0 =	simm.s32 @!p0 $0x0  }
0x12: {  	s1 =	sld [smem:$0x3F9D];
	s0 =	simm.s32 @p0 $0x1  }
0x13: {  	[smem:$0x3FB8] =	sst s0;
	s0 =	simm.s32 @!p1 $0x0  }
0x14: {  	s2 =	sld [smem:$0x3F9C];
	s0 =	simm.s32 @p1 $0x1  }
0x15: {  	[smem:$0x3FB9] =	sst s0;
	s0 =	simm.s32 @!p2 $0x0  }
0x16: {  	s3 =	sld [smem:$0x3FDB];
	s0 =	simm.s32 @p2 $0x1  }
0x17: {  	s4 =	simm.s32 $0x1BF5;
	[smem:$0x3FBB] =	sst s0  }
0x18: {  	s0 =	sld [smem:$0x3F9E];
	_ =	swait.ge [sflag:s4], $0x0  }
0x19: {  	s7 =	sld [smem:$0x3F9F]  }
0x1a: {  	s8 =	sadd.s32 $0xFFFFE003, lr  }
0x1b: {  	s9 =	sadd.s32 $0xFFFFFEF7, lr;
	s5 =	simm.s32 $0xFFFFFFFF;
	p2 =	slt.u32 s8, $0xFFFFF086  }
0x1c: {  	p1 =	slt.u32 s9, $0xF7A;
	s5 =	simm.s32 @!p2 $0x0  }
0x1d: {  	s5 =	simm.s32 @p1 $0x1;
	p0 =	seq.s32 s7, s2  }
0x1e: {  	s7 =	smul.u32 @!p0 $0xF7A, s2;
	p2 =	seq.s32 @!p0 s5, $0x0  }
0x1f: {  	s9 =	smul.u32 $0xF7A, s1;
	s8 =	simm.s32 @!p0 $0x1BF5;
	p2 =	por !p2, p0  }
0x20: {  	[sflag:s8] =	ssyncset.s32 @!p0 $0xFFFFF086;
	s6 =	sadd.s32 @!p0 s3, s7;
	s7 =	simm.s32 @!p0 $0x108  }
0x21: {  	s3 =	sadd.s32 s3, s9;
	s6 =	sadd.s32 @!p0 $0x88, s6;
	s7 =	simm.s32 @p2 $0x1082  }
0x22: {  	[simem:s7], [sflag:s8] =	dma.local @!p0 [hbm:s6], $0xF7A  }
0x23: {  	s9 =	sor.u32 $0xD0000000, s2;
	s6 =	simm.s32 $0x108;
	_ =	swait.ge @!p0 [sflag:s8], $0x0  }
0x24: {  	s3 =	sadd.s32 $0x88, s3;
	s6 =	simm.s32 @!p1 $0x1082;
	[sflag:s4] =	ssyncset.s32 $0xFFFFF086  }
0x25: {  	[simem:s6], [sflag:s4] =	dma.local [hbm:s3], $0xF7A  }
0x26: {  	[smem:$0x3F9F] =	sst s1;
	(tag) =	ssettag s2;
	_ =	strace s9  }
0x27: {  	s1 =	sld [smem:$0x3FAF]  }
0x28: {  	s2 =	sld [smem:$0x3FB0]  }
0x29: {  	s4 =	sld [smem:$0x3FB2]  }
0x2a: {  	p0 =	seq.s32 s5, $0x0;
	s5 =	sld [smem:$0x3FB3]  }
0x2b: {  	s6 =	sld [smem:$0x3FB4]  }
0x2c: {  	s7 =	sld [smem:$0x3FB5]  }
0x2d: {  	s3 =	simm.s32 $0x108;
	s8 =	sld [smem:$0x3FB6]  }
0x2e: {  	s3 =	simm.s32 @!p0 $0x1082;
	s9 =	sld [smem:$0x3FB7]  }
0x2f: {  	lr =	sadd.s32 s0, s3;
	s0 =	sld [smem:$0x3FAE]  }
0x30: {  	s3 =	sld [smem:$0x3FB1]  }
0x31: {  	[smem:$0x3FBA] =	sst s10  }
0x32: {  	s10 =	sld [smem:$0x3FB8];
	_ =	sdelay $0x3  }
0x33: {  	p0 =	seq.s32 s10, $0x1;
	s10 =	sld [smem:$0x3FBA];
	_ =	sdelay $0x3  }
0x34: {  	[smem:$0x3FBA] =	sst s10  }
0x35: {  	s10 =	sld [smem:$0x3FB9];
	_ =	sdelay $0x3  }
0x36: {  	p1 =	seq.s32 s10, $0x1;
	s10 =	sld [smem:$0x3FBA];
	_ =	sdelay $0x3  }
0x37: {  	[smem:$0x3FBA] =	sst s10  }
0x38: {  	s10 =	sld [smem:$0x3FBB]  }
0x39: {  	_ = 	snop;
	(pc) =	sbr.ind lr, $3  }
0x3a: {  	_ = 	snop  }
0x3b: {  	_ = 	snop  }
0x3c: {  	p2 =	seq.s32 s10, $0x1;
	s10 =	sld [smem:$0x3FBA]  }
0x3d: {  	_ =	shalt  }
0x3e: {  	_ =	shalt  }
0x3f: {  	_ =	shalt  }
0x40: {  	_ =	shalt  }
0x41: {  	_ =	shalt  }
0x42: {  	_ =	shalt  }
0x43: {  	_ =	shalt  }
0x44: {  	_ =	shalt  }
0x45: {  	_ =	shalt  }
0x46: {  	_ =	shalt  }
0x47: {  	_ =	shalt  }
0x48: {  	_ =	shalt  }
0x49: {  	_ =	shalt  }
0x4a: {  	_ =	shalt  }
0x4b: {  	_ =	shalt  }
0x4c: {  	_ =	shalt  }
0x4d: {  	_ =	shalt  }
0x4e: {  	_ =	shalt  }
0x4f: {  	_ =	shalt  }
0x50: {  	_ =	shalt  }
0x51: {  	_ =	shalt  }
0x52: {  	_ =	shalt  }
0x53: {  	_ =	shalt  }
0x54: {  	_ =	shalt  }
0x55: {  	_ =	shalt  }
0x56: {  	_ =	shalt  }
0x57: {  	_ =	shalt  }
0x58: {  	_ =	shalt  }
0x59: {  	_ =	shalt  }
0x5a: {  	_ =	shalt  }
0x5b: {  	_ =	shalt  }
0x5c: {  	_ =	shalt  }
0x5d: {  	_ =	shalt  }
0x5e: {  	_ =	shalt  }
0x5f: {  	_ =	shalt  }
0x60: {  	_ =	shalt  }
0x61: {  	_ =	shalt  }
0x62: {  	_ =	shalt  }
0x63: {  	_ =	shalt  }
0x64: {  	_ =	shalt  }
0x65: {  	_ =	shalt  }
0x66: {  	_ =	shalt  }
0x67: {  	_ =	shalt  }
0x68: {  	_ =	shalt  }
0x69: {  	_ =	shalt  }
0x6a: {  	_ =	shalt  }
0x6b: {  	_ =	shalt  }
0x6c: {  	_ =	shalt  }
0x6d: {  	_ =	shalt  }
0x6e: {  	_ =	shalt  }
0x6f: {  	_ =	shalt  }
0x70: {  	_ =	shalt  }
0x71: {  	_ =	shalt  }
0x72: {  	_ =	shalt  }
0x73: {  	_ =	shalt  }
0x74: {  	_ =	shalt  }
0x75: {  	_ =	shalt  }
0x76: {  	_ =	shalt  }
0x77: {  	_ =	shalt  }
0x78: {  	_ =	shalt  }
0x79: {  	_ =	shalt  }
0x7a: {  	_ =	shalt  }
0x7b: {  	_ =	shalt  }
0x7c: {  	_ =	shalt  }
0x7d: {  	_ =	shalt  }
0x7e: {  	_ =	shalt  }
0x7f: {  	_ =	shalt  }
0x80: {  	_ =	shalt  }
0x81: {  	_ =	shalt  }
0x82: {  	_ =	shalt  }
0x83: {  	_ =	shalt  }
0x84: {  	_ =	shalt  }
0x85: {  	_ =	shalt  }
0x86: {  	_ =	shalt  }
0x87: {  	_ =	shalt  }
.Lfunc_end0:
.L_simem_size_0:
called_computation_lowered:
.L_overlay_start_0:
0x88: {  	s2 =	sld [smem:$0x3FD9]  }
0x89: {  	s3 =	sld [smem:$0x3FFE];
	_ =	sdelay $0x1  }
0x8a: {  	s1 =	srdreg.scid  }
0x8b: {  	s0 =	sand.u32 $0x1, s1  }
0x8c: {  	s17 =	sshll.u32 s0, $0xA;
	s2 =	sadd.s32 s3, s2  }
0x8d: {  	s2 =	sadd.s32 s2, s17  }
0x8e: {  	[smem:$0x3FC6] =	sst s2  }
0x8f: {  	_ = 	snop  }
0x90: {  	s2 =	sld [smem:$0x3FD0];
	(tm) =	ssettm $0x1  }
0x91: {  	s18 =	sld [smem:$0x3FFB];
	_ =	sdelay $0x3  }
0x92: {  	_ =	strace s18  }
0x93: {  	s3 =	sld [smem:$0x3FFC];
	_ =	sdelay $0x3  }
0x94: {  	_ =	strace s3  }
0x95: {  	s3 =	sld [smem:$0x3FFD];
	_ =	sdelay $0x3  }
0x96: {  	_ =	strace s3  }
0x97: {  	_ =	strace $0x8FFFFFFF  }
0x98: {  	s19 =	sld [smem:$0x3FDB];
	_ =	sdelay $0x1  }
0x99: {  	s4 =	simm.s32 $_scs_section_size  }
0x9a: {  	s5 =	simm.s32 $_size__tile_overlayer_lowered;
	s6 =	simm.s32 $_tile_overlayer_lowered  }
0x9b: {  	s22 =	simm.s32 $0x1BFF;
	s21 =	sshll.u32 s6, $0x1;
	s3 =	sadd.s32 s4, s19  }
0x9c: {  	s7 =	simm.s32 $0x0;
	s20 =	sshll.u32 s5, $0x1;
	s5 =	sadd.s32 s21, s3  }
0x9d: {  	[timem:s7], [sflag:s22] =	dma.local [hbm:s5], s20  }
0x9e: {  	_ =	swait.ge [sflag:s22], s20  }
0x9f: {  	s4 =	ssub.s32 $0x0, s20;
	[sflag:s22] =	ssyncset.done $0x0  }
0xa0: {  	[sflag:s22] =	ssyncadd.s32 s4;
	_ =	sdelay $0x1  }
0xa1: {  	s23 =	simm.s32 $0x1B8B  }
0xa2: {  	_ =	swait.ge [sflag:s23], $0x1  }
0xa3: {  	[sflag:s23] =	ssyncset.done $0x0  }
0xa4: {  	s25 =	simm.s32 $0x1B8E;
	s24 =	sld [smem:$0x3FFE];
	[sflag:s23] =	ssyncadd.s32 $0xFFFFFFFF  }
0xa5: {  	s26 =	simm.s32 $execute0_lowered;
	[smem:$0x3FD2] =	sst s25  }
0xa6: {  	s5 =	sshll.u32 s26, $0x1;
	_ =	strace $0x80000046;
	[dreg:$0x1] =	wrdreg $0xFFFFFFFF  }
0xa7: {  	s28 =	simm.s32 $_size_execute0_lowered;
	s3 =	sadd.s32 s3, s5;
	[dreg:$0x0] =	wrdreg $0x0  }
0xa8: {  	s5 =	sshll.u32 s28, $0x1;
	[dreg:$0x2] =	wrdreg s3  }
0xa9: {  	[dreg:$0x3] =	wrdreg s5  }
0xaa: {  	[dreg:$0x4] =	wrdreg $0xC0  }
0xab: {  	_ =	task [dreg:s7], $0x5FFFF  }
0xac: {  	[dreg:$0x1] =	wrdreg $0xFFFFFFFF  }
0xad: {  	[dreg:$0x0] =	wrdreg $0x60  }
0xae: {  	[dreg:$0x2] =	wrdreg s24  }
0xaf: {  	[dreg:$0x3] =	wrdreg s2  }
0xb0: {  	[dreg:$0x4] =	wrdreg $0x9  }
0xb1: {  	_ =	task.clear_ibuf [dreg:s7], $0x5FFFF;
	_ =	strace $0x90000046  }
0xb2: {  	s29 =	simm.s32 $0x9;
	_ =	strace $0x80000048  }
0xb3: {  	_ =	swait.ge [sflag:s29], $0x1  }
0xb4: {  	[sflag:s29] =	ssyncadd.s32 $0xFFFFFFFF  }
0xb5: {  	_ =	strace $0x90000048  }
0xb6: {  	_ =	sfence  }
0xb7: {  	s30 =	sld [smem:$0x0];
	_ =	sdelay $0x2  }
0xb8: {  	s31 =	sshll.u32 s1, $0xD;
	s1 =	sshrl.u32 s1, $0x2  }
0xb9: {  	s3 =	sand.u32 $0x4000, s31;
	s1 =	sadd.s32 s1, s30  }
0xba: {  	s0 =	sor.u32 s3, s0;
	s1 =	sshll.u32 s1, $0x11  }
0xbb: {  	s0 =	sor.u32 s1, s0  }
0xbc: {  	s0 =	sadd.s32 $0x8F2B, s0  }
0xbd: {  	[sflag:s0] =	ssyncadd.remote.s32 $0x1  }
0xbe: {  	_ =	sfence.sel $0xFFFF  }
0xbf: {  	[dreg:$0x0] =	wrdreg $0xFFFFFFFF;
	(pc) =	sbr.abs _section_cstart, $3  }
0xc0: {  	[dreg:$0x1] =	wrdreg $0xFFFFFFFF  }
0xc1: {  	_ =	task.clear_ibuf [dreg:s7], $0x2FFFF;
	_ =	strace $0x9FFFFFFF  }
0xc2: {  	(tm) =	ssettm $0x7FFFFFFF  }
0xc3: {  	_ =	shalt  }
tec
execute0_lowered:
.L_overlay_start_1:
0x0: {  	(tag) =	ssettag $0x1  }
0x1: {  	s5 =	rddreg [dreg:$0x0]  }
0x2: {  	s2 =	rddreg [dreg:$0x1]  }
0x3: {  	s0 =	rddreg [dreg:$0x2]  }
0x4: {  	s4 =	srdreg.scid;
	s1 =	stileid.u32  }
0x5: {  	s3 =	simm.s32 $0x0;
	s13 =	simm.s32 $0x3;
	s14 =	simm.s32 $0x640  }
0x6: {  	s15 =	simm.s32 $0xC80;
	s16 =	simm.s32 $0xD480;
	s17 =	simm.s32 $0x1  }
0x7: {  	s18 =	simm.s32 $0x19C80;
	s19 =	simm.s32 $0x2;
	s20 =	simm.s32 $0x1A080  }
0x8: {  	s4 =	sand.u32 $0x1, s4;
	s6 =	sshll.u32 s1, $0x1;
	[smem:$0x7FF] =	sst s3  }
0x9: {  	s21 =	simm.s32 $0x0;
	s7 =	sor.u32 s4, s6;
	_ =	strace $0x80000047  }
0xa: {  	s30 =	ssub.s32 $0x2, s4;
	s4 =	sadd.s32 $0x400, s5;
	s8 =	smul.u32 $0x6400, s7  }
.Ltmp0:
0xb: {  	s5 =	sadd.s32 $0x19400, s5;
	s9 =	sshrl.u32 s30, $0x1;
	(pc) =	sbr.rel .LBB2_1-.Ltmp0, $4  }
0xc: {  	s10 =	smul.u32 $0xC80, s7;
	s31 =	sshll.u32 s7, $0xB;
	s7 =	sshll.u32 s7, $0x9  }
0xd: {  	s12 =	ssub.s32 s30, s9;
	s9 =	sadd.s32 s2, s31;
	s8 =	sshrl.u32 s8, $0x3  }
0xe: {  	s11 =	sor.u32 $0x60, s7;
	s6 =	sadd.s32 s4, s10;
	s8 =	sadd.s32 s4, s8  }
0xf: {  	s10 =	sor.u32 $0x40, s7;
	s12 =	smax.u32 s12, $0x1;
	s8 =	sadd.s32 $0xC8, s8  }
.LBB2_8:
0x10: {  	s21 =	sadd.s32 $0x1, s21  }
0x11: {  	p0 =	sne.s32 s21, s12  }
.Ltmp1:
0x12: {  	_ = 	snop;
	(pc) =	sbr.rel @!p0 .LBB2_9-.Ltmp1, $1  }
0x13: {  	_ =	sdelay $0x3  }
.LBB2_1:
0x14: {  	[tilespmem:s3], [sflag:$0x3] =	stream.linear.gather [hbm4b:s6+s3], $0x640, $0x38;
	[tilespmem:$0x1A480] =	vst v63  }
0x15: {  	_ =	swait.ge [sflag:s13], $0x640  }
0x16: {  	[sflag:s13] =	ssyncset.done $0x0  }
0x17: {  	[sflag:s13] =	ssyncadd.s32 $0xFFFFF9C0  }
0x18: {  	[tilespmem:s15], [sflag:$0x1] =	stream.indirect.gather [hbm4b:s5+s14], $0x20, s3, s14, $0xb8;
	[tilespmem:$0x1A480] =	vst v63  }
0x19: {  	_ = 	snop  }
0x1a: {  	[tilespmem:s14], [sflag:$0x3] =	stream.linear.gather [hbm4b:s8+s3], $0x640, $0x38;
	[tilespmem:$0x1A480] =	vst v63  }
0x1b: {  	_ =	swait.ge [sflag:s13], $0x640  }
0x1c: {  	[sflag:s13] =	ssyncset.done $0x0  }
0x1d: {  	s22 =	simm.s32 $0x0;
	[sflag:s13] =	ssyncadd.s32 $0xFFFFF9C0  }
0x1e: {  	[tilespmem:s16], [sflag:$0x2] =	stream.indirect.gather [hbm4b:s5+s14], $0x20, s14, s14, $0xb8;
	[tilespmem:$0x1A480] =	vst v63  }
.LBB2_2:
0x1f: {  	_ =	swait.ge [sflag:s17], $0xC800  }
0x20: {  	[sflag:s17] =	ssyncset.done $0x0  }
0x21: {  	s23 =	simm.s32 $0xFA0;
	[sflag:s17] =	ssyncadd.s32 $0xFFFF3800  }
0x22: {  	v0 =	vld [tilespmem:s23+$0xFFFFFD00]  }
0x23: {  	v1 =	vld [tilespmem:s23+$0xFFFFFD10]  }
0x24: {  	v2 =	vld [tilespmem:s23+$0xFFFFFCE0]  }
0x25: {  	v3 =	vld [tilespmem:s23+$0xFFFFFCF0]  }
0x26: {  	v4 =	vld [tilespmem:s23+$0xFFFFFD20]  }
0x27: {  	v5 =	vld [tilespmem:s23+$0xFFFFFD30]  }
0x28: {  	v6 =	vld [tilespmem:s23+$0xFFFFFD40]  }
0x29: {  	v7 =	vld [tilespmem:s23+$0xFFFFFD60];
	v0 =	vadd.f32 v0, v2  }
0x2a: {  	v2 =	vld [tilespmem:s23+$0xFFFFFD50]  }
0x2b: {  	v59 =	vld [tilespmem:s23+$0xFFFFFD80];
	v1 =	vadd.f32 v1, v3;
	v0 =	vadd.f32 v4, v0  }
0x2c: {  	v3 =	vld [tilespmem:s23+$0xFFFFFD70]  }
0x2d: {  	v60 =	vld [tilespmem:s23+$0xFFFFFD90];
	v1 =	vadd.f32 v5, v1;
	v0 =	vadd.f32 v6, v0  }
0x2e: {  	v61 =	vld [tilespmem:s23+$0xFFFFFDA0]  }
0x2f: {  	v62 =	vld [tilespmem:s23+$0xFFFFFDC0];
	v1 =	vadd.f32 v2, v1;
	v0 =	vadd.f32 v7, v0  }
0x30: {  	v2 =	vld [tilespmem:s23+$0xFFFFFDB0]  }
0x31: {  	v63 =	vld [tilespmem:s23+$0xFFFFFDE0];
	v1 =	vadd.f32 v3, v1;
	v0 =	vadd.f32 v59, v0  }
0x32: {  	v3 =	vld [tilespmem:s23+$0xFFFFFDD0]  }
0x33: {  	v9 =	vld [tilespmem:s23+$0xFFFFFDF0];
	v1 =	vadd.f32 v60, v1;
	v0 =	vadd.f32 v61, v0  }
0x34: {  	v10 =	vld [tilespmem:s23+$0xFFFFFE00]  }
0x35: {  	v11 =	vld [tilespmem:s23+$0xFFFFFE20];
	v1 =	vadd.f32 v2, v1;
	v0 =	vadd.f32 v62, v0  }
0x36: {  	v2 =	vld [tilespmem:s23+$0xFFFFFE10]  }
0x37: {  	v12 =	vld [tilespmem:s23+$0xFFFFFE40];
	v1 =	vadd.f32 v3, v1;
	v0 =	vadd.f32 v63, v0  }
0x38: {  	v3 =	vld [tilespmem:s23+$0xFFFFFE30]  }
0x39: {  	v13 =	vld [tilespmem:s23+$0xFFFFFE50];
	v1 =	vadd.f32 v9, v1;
	v0 =	vadd.f32 v10, v0  }
0x3a: {  	v14 =	vld [tilespmem:s23+$0xFFFFFE60]  }
0x3b: {  	v15 =	vld [tilespmem:s23+$0xFFFFFE80];
	v1 =	vadd.f32 v2, v1;
	v0 =	vadd.f32 v11, v0  }
0x3c: {  	v2 =	vld [tilespmem:s23+$0xFFFFFE70]  }
0x3d: {  	v16 =	vld [tilespmem:s23+$0xFFFFFEA0];
	v1 =	vadd.f32 v3, v1;
	v0 =	vadd.f32 v12, v0  }
0x3e: {  	v3 =	vld [tilespmem:s23+$0xFFFFFE90]  }
0x3f: {  	v17 =	vld [tilespmem:s23+$0xFFFFFEB0];
	v1 =	vadd.f32 v13, v1;
	v0 =	vadd.f32 v14, v0  }
0x40: {  	v18 =	vld [tilespmem:s23+$0xFFFFFEC0]  }
0x41: {  	v19 =	vld [tilespmem:s23+$0xFFFFFEE0];
	v1 =	vadd.f32 v2, v1;
	v0 =	vadd.f32 v15, v0  }
0x42: {  	v2 =	vld [tilespmem:s23+$0xFFFFFED0]  }
0x43: {  	v20 =	vld [tilespmem:s23+$0xFFFFFF00];
	v1 =	vadd.f32 v3, v1;
	v0 =	vadd.f32 v16, v0  }
0x44: {  	v3 =	vld [tilespmem:s23+$0xFFFFFEF0]  }
0x45: {  	v21 =	vld [tilespmem:s23+$0xFFFFFF10];
	v1 =	vadd.f32 v17, v1;
	v0 =	vadd.f32 v18, v0  }
0x46: {  	v22 =	vld [tilespmem:s23+$0xFFFFFF20]  }
0x47: {  	v23 =	vld [tilespmem:s23+$0xFFFFFF40];
	v1 =	vadd.f32 v2, v1;
	v0 =	vadd.f32 v19, v0  }
0x48: {  	v2 =	vld [tilespmem:s23+$0xFFFFFF30]  }
0x49: {  	v24 =	vld [tilespmem:s23+$0xFFFFFF60];
	v1 =	vadd.f32 v3, v1;
	v0 =	vadd.f32 v20, v0  }
0x4a: {  	v3 =	vld [tilespmem:s23+$0xFFFFFF50]  }
0x4b: {  	v25 =	vld [tilespmem:s23+$0xFFFFFF70];
	v1 =	vadd.f32 v21, v1;
	v0 =	vadd.f32 v22, v0  }
0x4c: {  	v26 =	vld [tilespmem:s23+$0xFFFFFF80]  }
0x4d: {  	v27 =	vld [tilespmem:s23+$0xFFFFFFA0];
	v1 =	vadd.f32 v2, v1;
	v0 =	vadd.f32 v23, v0  }
0x4e: {  	v2 =	vld [tilespmem:s23+$0xFFFFFF90]  }
0x4f: {  	v28 =	vld [tilespmem:s23+$0xFFFFFFC0];
	v1 =	vadd.f32 v3, v1;
	v0 =	vadd.f32 v24, v0  }
0x50: {  	v3 =	vld [tilespmem:s23+$0xFFFFFFB0]  }
0x51: {  	v29 =	vld [tilespmem:s23+$0xFFFFFFD0];
	v1 =	vadd.f32 v25, v1;
	v0 =	vadd.f32 v26, v0  }
0x52: {  	v30 =	vld [tilespmem:s23+$0xFFFFFFE0]  }
0x53: {  	v31 =	vld [tilespmem:s23+$0x0];
	v1 =	vadd.f32 v2, v1;
	v0 =	vadd.f32 v27, v0  }
0x54: {  	v2 =	vld [tilespmem:s23+$0xFFFFFFF0]  }
0x55: {  	v32 =	vld [tilespmem:s23+$0x20];
	v1 =	vadd.f32 v3, v1;
	v0 =	vadd.f32 v28, v0  }
0x56: {  	v3 =	vld [tilespmem:s23+$0x10]  }
0x57: {  	v33 =	vld [tilespmem:s23+$0x30];
	v1 =	vadd.f32 v29, v1;
	v0 =	vadd.f32 v30, v0  }
0x58: {  	v34 =	vld [tilespmem:s23+$0x40]  }
0x59: {  	v35 =	vld [tilespmem:s23+$0x60];
	v1 =	vadd.f32 v2, v1;
	v0 =	vadd.f32 v31, v0  }
0x5a: {  	v2 =	vld [tilespmem:s23+$0x50]  }
0x5b: {  	v36 =	vld [tilespmem:s23+$0x80];
	v1 =	vadd.f32 v3, v1;
	v0 =	vadd.f32 v32, v0  }
0x5c: {  	v3 =	vld [tilespmem:s23+$0x70]  }
0x5d: {  	v37 =	vld [tilespmem:s23+$0x90];
	v1 =	vadd.f32 v33, v1;
	v0 =	vadd.f32 v34, v0  }
0x5e: {  	v38 =	vld [tilespmem:s23+$0xA0]  }
0x5f: {  	v39 =	vld [tilespmem:s23+$0xC0];
	v1 =	vadd.f32 v2, v1;
	v0 =	vadd.f32 v35, v0  }
0x60: {  	v2 =	vld [tilespmem:s23+$0xB0]  }
0x61: {  	v40 =	vld [tilespmem:s23+$0xE0];
	v1 =	vadd.f32 v3, v1;
	v0 =	vadd.f32 v36, v0  }
0x62: {  	v3 =	vld [tilespmem:s23+$0xD0]  }
0x63: {  	v41 =	vld [tilespmem:s23+$0xF0];
	v1 =	vadd.f32 v37, v1;
	v0 =	vadd.f32 v38, v0  }
0x64: {  	v42 =	vld [tilespmem:s23+$0x100]  }
0x65: {  	v43 =	vld [tilespmem:s23+$0x120];
	v1 =	vadd.f32 v2, v1;
	v0 =	vadd.f32 v39, v0  }
0x66: {  	v2 =	vld [tilespmem:s23+$0x110]  }
0x67: {  	v44 =	vld [tilespmem:s23+$0x140];
	v1 =	vadd.f32 v3, v1;
	v0 =	vadd.f32 v40, v0  }
0x68: {  	v3 =	vld [tilespmem:s23+$0x130]  }
0x69: {  	v45 =	vld [tilespmem:s23+$0x150];
	v1 =	vadd.f32 v41, v1;
	v0 =	vadd.f32 v42, v0  }
0x6a: {  	v46 =	vld [tilespmem:s23+$0x160]  }
0x6b: {  	v47 =	vld [tilespmem:s23+$0x180];
	v1 =	vadd.f32 v2, v1;
	v0 =	vadd.f32 v43, v0  }
0x6c: {  	v2 =	vld [tilespmem:s23+$0x170]  }
0x6d: {  	v48 =	vld [tilespmem:s23+$0x1A0];
	v1 =	vadd.f32 v3, v1;
	v0 =	vadd.f32 v44, v0  }
0x6e: {  	v3 =	vld [tilespmem:s23+$0x190]  }
0x6f: {  	v49 =	vld [tilespmem:s23+$0x1B0];
	v1 =	vadd.f32 v45, v1;
	v0 =	vadd.f32 v46, v0  }
0x70: {  	v50 =	vld [tilespmem:s23+$0x1C0]  }
0x71: {  	v51 =	vld [tilespmem:s23+$0x1E0];
	v1 =	vadd.f32 v2, v1;
	v0 =	vadd.f32 v47, v0  }
0x72: {  	v2 =	vld [tilespmem:s23+$0x1D0]  }
0x73: {  	v52 =	vld [tilespmem:s23+$0x200];
	v1 =	vadd.f32 v3, v1;
	v0 =	vadd.f32 v48, v0  }
0x74: {  	v3 =	vld [tilespmem:s23+$0x1F0]  }
0x75: {  	v53 =	vld [tilespmem:s23+$0x210];
	v1 =	vadd.f32 v49, v1;
	v0 =	vadd.f32 v50, v0  }
0x76: {  	v54 =	vld [tilespmem:s23+$0x220]  }
0x77: {  	v55 =	vld [tilespmem:s23+$0x240];
	v1 =	vadd.f32 v2, v1;
	v0 =	vadd.f32 v51, v0  }
0x78: {  	v2 =	vld [tilespmem:s23+$0x230]  }
0x79: {  	v56 =	vld [tilespmem:s23+$0x260];
	v1 =	vadd.f32 v3, v1;
	v0 =	vadd.f32 v52, v0  }
0x7a: {  	v3 =	vld [tilespmem:s23+$0x250]  }
0x7b: {  	v57 =	vld [tilespmem:s23+$0x270];
	v1 =	vadd.f32 v53, v1;
	v0 =	vadd.f32 v54, v0  }
0x7c: {  	v58 =	vld [tilespmem:s23+$0x280]  }
0x7d: {  	v59 =	vld [tilespmem:s23+$0x2A0];
	v1 =	vadd.f32 v2, v1;
	v0 =	vadd.f32 v55, v0  }
0x7e: {  	v2 =	vld [tilespmem:s23+$0x290]  }
0x7f: {  	v60 =	vld [tilespmem:s23+$0x2C0];
	v1 =	vadd.f32 v3, v1;
	v0 =	vadd.f32 v56, v0  }
0x80: {  	v3 =	vld [tilespmem:s23+$0x2B0]  }
0x81: {  	v61 =	vld [tilespmem:s23+$0x2D0];
	v1 =	vadd.f32 v57, v1;
	v0 =	vadd.f32 v58, v0  }
0x82: {  	v62 =	vld [tilespmem:s23+$0x2E0]  }
0x83: {  	v63 =	vld [tilespmem:s23+$0x300];
	v1 =	vadd.f32 v2, v1;
	v0 =	vadd.f32 v59, v0  }
0x84: {  	v2 =	vld [tilespmem:s23+$0x2F0]  }
0x85: {  	v1 =	vadd.f32 v3, v1;
	v0 =	vadd.f32 v60, v0  }
0x86: {  	v3 =	vld [tilespmem:s23+$0x310]  }
0x87: {  	v1 =	vadd.f32 v61, v1;
	v0 =	vadd.f32 v62, v0;
	_ =	sdelay $0x1  }
0x88: {  	v1 =	vadd.f32 v2, v1;
	v0 =	vadd.f32 v63, v0;
	_ =	sdelay $0x1  }
0x89: {  	v1 =	vadd.f32 v3, v1;
	v2 =	vmul.f32 $1.999999960e-02, v0  }
0x8a: {  	s25 =	simm.s32 $0x0  }
0x8b: {  	s24 =	simm.s32 $0x80;
	v0 =	vmul.f32 $1.999999960e-02, v1;
	[tilespmem:s25+$0x19C80] =	vst v2  }
.LBB2_3:
0x8c: {  	p0 =	sne.s32 s24, $0xF80  }
0x8d: {  	[tilespmem:s25+$0x19C90] =	vst v0;
	s23 =	sadd.s32 $0x640, s23;
	s25 =	smov.u32 s24;
	s24 =	sadd.s32 $0x80, s24  }
0x8e: {  	v0 =	vld [tilespmem:s23+$0xFFFFFD00]  }
0x8f: {  	v1 =	vld [tilespmem:s23+$0xFFFFFD10]  }
0x90: {  	v2 =	vld [tilespmem:s23+$0xFFFFFCE0]  }
0x91: {  	v3 =	vld [tilespmem:s23+$0xFFFFFCF0]  }
0x92: {  	v4 =	vld [tilespmem:s23+$0xFFFFFD20]  }
0x93: {  	v5 =	vld [tilespmem:s23+$0xFFFFFD30]  }
0x94: {  	v6 =	vld [tilespmem:s23+$0xFFFFFD40]  }
0x95: {  	v0 =	vadd.f32 v0, v2;
	v2 =	vld [tilespmem:s23+$0xFFFFFD50]  }
0x96: {  	v1 =	vadd.f32 v1, v3;
	v3 =	vld [tilespmem:s23+$0xFFFFFD60]  }
0x97: {  	v0 =	vadd.f32 v4, v0;
	v4 =	vld [tilespmem:s23+$0xFFFFFD70]  }
0x98: {  	v1 =	vadd.f32 v5, v1;
	v5 =	vld [tilespmem:s23+$0xFFFFFD80]  }
0x99: {  	v0 =	vadd.f32 v6, v0;
	v6 =	vld [tilespmem:s23+$0xFFFFFD90]  }
0x9a: {  	v1 =	vadd.f32 v2, v1;
	v2 =	vld [tilespmem:s23+$0xFFFFFDA0]  }
0x9b: {  	v0 =	vadd.f32 v3, v0;
	v3 =	vld [tilespmem:s23+$0xFFFFFDB0]  }
0x9c: {  	v1 =	vadd.f32 v4, v1;
	v4 =	vld [tilespmem:s23+$0xFFFFFDC0]  }
0x9d: {  	v0 =	vadd.f32 v5, v0;
	v5 =	vld [tilespmem:s23+$0xFFFFFDD0]  }
0x9e: {  	v1 =	vadd.f32 v6, v1;
	v6 =	vld [tilespmem:s23+$0xFFFFFDE0]  }
0x9f: {  	v0 =	vadd.f32 v2, v0;
	v2 =	vld [tilespmem:s23+$0xFFFFFDF0]  }
0xa0: {  	v1 =	vadd.f32 v3, v1;
	v3 =	vld [tilespmem:s23+$0xFFFFFE00]  }
0xa1: {  	v0 =	vadd.f32 v4, v0;
	v4 =	vld [tilespmem:s23+$0xFFFFFE10]  }
0xa2: {  	v1 =	vadd.f32 v5, v1;
	v5 =	vld [tilespmem:s23+$0xFFFFFE20]  }
0xa3: {  	v0 =	vadd.f32 v6, v0;
	v6 =	vld [tilespmem:s23+$0xFFFFFE30]  }
0xa4: {  	v1 =	vadd.f32 v2, v1;
	v2 =	vld [tilespmem:s23+$0xFFFFFE40]  }
0xa5: {  	v0 =	vadd.f32 v3, v0;
	v3 =	vld [tilespmem:s23+$0xFFFFFE50]  }
0xa6: {  	v1 =	vadd.f32 v4, v1;
	v4 =	vld [tilespmem:s23+$0xFFFFFE60]  }
0xa7: {  	v0 =	vadd.f32 v5, v0;
	v5 =	vld [tilespmem:s23+$0xFFFFFE70]  }
0xa8: {  	v1 =	vadd.f32 v6, v1;
	v6 =	vld [tilespmem:s23+$0xFFFFFE80]  }
0xa9: {  	v0 =	vadd.f32 v2, v0;
	v2 =	vld [tilespmem:s23+$0xFFFFFE90]  }
0xaa: {  	v1 =	vadd.f32 v3, v1;
	v3 =	vld [tilespmem:s23+$0xFFFFFEA0]  }
0xab: {  	v0 =	vadd.f32 v4, v0;
	v4 =	vld [tilespmem:s23+$0xFFFFFEB0]  }
0xac: {  	v1 =	vadd.f32 v5, v1;
	v5 =	vld [tilespmem:s23+$0xFFFFFEC0]  }
0xad: {  	v0 =	vadd.f32 v6, v0;
	v6 =	vld [tilespmem:s23+$0xFFFFFED0]  }
0xae: {  	v1 =	vadd.f32 v2, v1;
	v2 =	vld [tilespmem:s23+$0xFFFFFEE0]  }
0xaf: {  	v0 =	vadd.f32 v3, v0;
	v3 =	vld [tilespmem:s23+$0xFFFFFEF0]  }
0xb0: {  	v1 =	vadd.f32 v4, v1;
	v4 =	vld [tilespmem:s23+$0xFFFFFF00]  }
0xb1: {  	v0 =	vadd.f32 v5, v0;
	v5 =	vld [tilespmem:s23+$0xFFFFFF10]  }
0xb2: {  	v1 =	vadd.f32 v6, v1;
	v6 =	vld [tilespmem:s23+$0xFFFFFF20]  }
0xb3: {  	v0 =	vadd.f32 v2, v0;
	v2 =	vld [tilespmem:s23+$0xFFFFFF30]  }
0xb4: {  	v1 =	vadd.f32 v3, v1;
	v3 =	vld [tilespmem:s23+$0xFFFFFF40]  }
0xb5: {  	v0 =	vadd.f32 v4, v0;
	v4 =	vld [tilespmem:s23+$0xFFFFFF50]  }
0xb6: {  	v1 =	vadd.f32 v5, v1;
	v5 =	vld [tilespmem:s23+$0xFFFFFF60]  }
0xb7: {  	v0 =	vadd.f32 v6, v0;
	v6 =	vld [tilespmem:s23+$0xFFFFFF70]  }
0xb8: {  	v1 =	vadd.f32 v2, v1;
	v2 =	vld [tilespmem:s23+$0xFFFFFF80]  }
0xb9: {  	v0 =	vadd.f32 v3, v0;
	v3 =	vld [tilespmem:s23+$0xFFFFFF90]  }
0xba: {  	v1 =	vadd.f32 v4, v1;
	v4 =	vld [tilespmem:s23+$0xFFFFFFA0]  }
0xbb: {  	v0 =	vadd.f32 v5, v0;
	v5 =	vld [tilespmem:s23+$0xFFFFFFB0]  }
0xbc: {  	v1 =	vadd.f32 v6, v1;
	v6 =	vld [tilespmem:s23+$0xFFFFFFC0]  }
0xbd: {  	v0 =	vadd.f32 v2, v0;
	v2 =	vld [tilespmem:s23+$0xFFFFFFD0]  }
0xbe: {  	v1 =	vadd.f32 v3, v1;
	v3 =	vld [tilespmem:s23+$0xFFFFFFE0]  }
0xbf: {  	v0 =	vadd.f32 v4, v0;
	v4 =	vld [tilespmem:s23+$0xFFFFFFF0]  }
0xc0: {  	v1 =	vadd.f32 v5, v1;
	v5 =	vld [tilespmem:s23+$0x0]  }
0xc1: {  	v0 =	vadd.f32 v6, v0;
	v6 =	vld [tilespmem:s23+$0x10]  }
0xc2: {  	v1 =	vadd.f32 v2, v1;
	v2 =	vld [tilespmem:s23+$0x20]  }
0xc3: {  	v0 =	vadd.f32 v3, v0;
	v3 =	vld [tilespmem:s23+$0x30]  }
0xc4: {  	v1 =	vadd.f32 v4, v1;
	v4 =	vld [tilespmem:s23+$0x40]  }
0xc5: {  	v0 =	vadd.f32 v5, v0;
	v5 =	vld [tilespmem:s23+$0x50]  }
0xc6: {  	v1 =	vadd.f32 v6, v1;
	v6 =	vld [tilespmem:s23+$0x60]  }
0xc7: {  	v0 =	vadd.f32 v2, v0;
	v2 =	vld [tilespmem:s23+$0x70]  }
0xc8: {  	v1 =	vadd.f32 v3, v1;
	v3 =	vld [tilespmem:s23+$0x80]  }
0xc9: {  	v0 =	vadd.f32 v4, v0;
	v4 =	vld [tilespmem:s23+$0x90]  }
0xca: {  	v1 =	vadd.f32 v5, v1;
	v5 =	vld [tilespmem:s23+$0xA0]  }
0xcb: {  	v0 =	vadd.f32 v6, v0;
	v6 =	vld [tilespmem:s23+$0xB0]  }
0xcc: {  	v1 =	vadd.f32 v2, v1;
	v2 =	vld [tilespmem:s23+$0xC0]  }
0xcd: {  	v0 =	vadd.f32 v3, v0;
	v3 =	vld [tilespmem:s23+$0xD0]  }
0xce: {  	v1 =	vadd.f32 v4, v1;
	v4 =	vld [tilespmem:s23+$0xE0]  }
0xcf: {  	v0 =	vadd.f32 v5, v0;
	v5 =	vld [tilespmem:s23+$0xF0]  }
0xd0: {  	v1 =	vadd.f32 v6, v1;
	v6 =	vld [tilespmem:s23+$0x100]  }
0xd1: {  	v0 =	vadd.f32 v2, v0;
	v2 =	vld [tilespmem:s23+$0x110]  }
0xd2: {  	v1 =	vadd.f32 v3, v1;
	v3 =	vld [tilespmem:s23+$0x120]  }
0xd3: {  	v0 =	vadd.f32 v4, v0;
	v4 =	vld [tilespmem:s23+$0x130]  }
0xd4: {  	v1 =	vadd.f32 v5, v1;
	v5 =	vld [tilespmem:s23+$0x140]  }
0xd5: {  	v0 =	vadd.f32 v6, v0;
	v6 =	vld [tilespmem:s23+$0x150]  }
0xd6: {  	v1 =	vadd.f32 v2, v1;
	v2 =	vld [tilespmem:s23+$0x160]  }
0xd7: {  	v0 =	vadd.f32 v3, v0;
	v3 =	vld [tilespmem:s23+$0x170]  }
0xd8: {  	v1 =	vadd.f32 v4, v1;
	v4 =	vld [tilespmem:s23+$0x180]  }
0xd9: {  	v0 =	vadd.f32 v5, v0;
	v5 =	vld [tilespmem:s23+$0x190]  }
0xda: {  	v1 =	vadd.f32 v6, v1;
	v6 =	vld [tilespmem:s23+$0x1A0]  }
0xdb: {  	v0 =	vadd.f32 v2, v0;
	v2 =	vld [tilespmem:s23+$0x1B0]  }
0xdc: {  	v1 =	vadd.f32 v3, v1;
	v3 =	vld [tilespmem:s23+$0x1C0]  }
0xdd: {  	v0 =	vadd.f32 v4, v0;
	v4 =	vld [tilespmem:s23+$0x1D0]  }
0xde: {  	v1 =	vadd.f32 v5, v1;
	v5 =	vld [tilespmem:s23+$0x1E0]  }
0xdf: {  	v0 =	vadd.f32 v6, v0;
	v6 =	vld [tilespmem:s23+$0x1F0]  }
0xe0: {  	v1 =	vadd.f32 v2, v1;
	v2 =	vld [tilespmem:s23+$0x200]  }
0xe1: {  	v0 =	vadd.f32 v3, v0;
	v3 =	vld [tilespmem:s23+$0x210]  }
0xe2: {  	v1 =	vadd.f32 v4, v1;
	v4 =	vld [tilespmem:s23+$0x220]  }
0xe3: {  	v0 =	vadd.f32 v5, v0;
	v5 =	vld [tilespmem:s23+$0x230]  }
0xe4: {  	v1 =	vadd.f32 v6, v1;
	v6 =	vld [tilespmem:s23+$0x240]  }
0xe5: {  	v0 =	vadd.f32 v2, v0;
	v2 =	vld [tilespmem:s23+$0x250]  }
0xe6: {  	v1 =	vadd.f32 v3, v1;
	v3 =	vld [tilespmem:s23+$0x260]  }
0xe7: {  	v0 =	vadd.f32 v4, v0;
	v4 =	vld [tilespmem:s23+$0x270]  }
0xe8: {  	v1 =	vadd.f32 v5, v1;
	v5 =	vld [tilespmem:s23+$0x280]  }
0xe9: {  	v0 =	vadd.f32 v6, v0;
	v6 =	vld [tilespmem:s23+$0x290]  }
0xea: {  	v1 =	vadd.f32 v2, v1;
	v2 =	vld [tilespmem:s23+$0x2A0]  }
0xeb: {  	v0 =	vadd.f32 v3, v0;
	v3 =	vld [tilespmem:s23+$0x2B0]  }
0xec: {  	v1 =	vadd.f32 v4, v1;
	v4 =	vld [tilespmem:s23+$0x2C0]  }
0xed: {  	v0 =	vadd.f32 v5, v0;
	v5 =	vld [tilespmem:s23+$0x2D0]  }
0xee: {  	v1 =	vadd.f32 v6, v1;
	v6 =	vld [tilespmem:s23+$0x2E0]  }
0xef: {  	v0 =	vadd.f32 v2, v0;
	v2 =	vld [tilespmem:s23+$0x2F0]  }
0xf0: {  	v1 =	vadd.f32 v3, v1;
	v3 =	vld [tilespmem:s23+$0x300]  }
0xf1: {  	v0 =	vadd.f32 v4, v0;
	v4 =	vld [tilespmem:s23+$0x310]  }
0xf2: {  	v1 =	vadd.f32 v5, v1  }
0xf3: {  	v0 =	vadd.f32 v6, v0  }
0xf4: {  	v1 =	vadd.f32 v2, v1  }
.Ltmp2:
0xf5: {  	v0 =	vadd.f32 v3, v0;
	(pc) =	sbr.rel @p0 .LBB2_3-.Ltmp2, $4  }
0xf6: {  	v1 =	vadd.f32 v4, v1  }
0xf7: {  	v2 =	vmul.f32 $1.999999960e-02, v0  }
0xf8: {  	s25 =	sshra.s32 s25, $0x2;
	v0 =	vmul.f32 $1.999999960e-02, v1  }
0xf9: {  	[tilespmem:s25+$0x19C80] =	vst v2  }
0xfa: {  	s23 =	sshll.u32 s22, $0x8  }
0xfb: {  	[tilespmem:s25+$0x19C90] =	vst v0;
	s23 =	sadd.s32 s23, s9  }
0xfc: {  	[hbm4b:s23+s3] =	stream.linear.scatter [tilespmem:s18], [sflag:$0x3], $0x400, $0x38;
	[tilespmem:$0x1A480] =	vst v63  }
0xfd: {  	p0 =	seq.s32 s22, $0x7;
	s23 =	sshll.u32 s22, $0x6  }
0xfe: {  	s24 =	sadd.s32 @!p0 s23, s10  }
0xff: {  	s24 =	smul.u32 @!p0 $0x32, s24  }
0x100: {  	_ =	swait.ge [sflag:s13], $0x400  }
0x101: {  	[sflag:s13] =	ssyncset.done $0x0;
	s24 =	sshrl.u32 @!p0 s24, $0x3  }
0x102: {  	s25 =	simm.s32 @!p0 $0x0;
	[sflag:s13] =	ssyncadd.s32 $0xFFFFFC00;
	s24 =	sadd.s32 @!p0 s4, s24  }
0x103: {  	[tilespmem:s25], [sflag:$0x3] =	stream.linear.gather @!p0 [hbm4b:s24+s25], $0x640, $0x38;
	[tilespmem:$0x1A480] =	vst v63  }
0x104: {  	s24 =	simm.s32 @!p0 $0x3  }
0x105: {  	_ =	swait.ge @!p0 [sflag:s24], $0x640  }
0x106: {  	[sflag:s24] =	ssyncset.done @!p0 $0x0  }
0x107: {  	s26 =	simm.s32 @!p0 $0xC80;
	[sflag:s24] =	ssyncadd.s32 @!p0 $0xFFFFF9C0;
	s24 =	simm.s32 @!p0 $0x640  }
0x108: {  	[tilespmem:s26], [sflag:$0x1] =	stream.indirect.gather @!p0 [hbm4b:s5+s24], $0x20, s25, s24, $0xb8;
	[tilespmem:$0x1A480] =	vst v63  }
0x109: {  	_ =	swait.ge [sflag:s19], $0xC800  }
0x10a: {  	[sflag:s19] =	ssyncset.done $0x0  }
0x10b: {  	s24 =	simm.s32 $0xD7A0;
	[sflag:s19] =	ssyncadd.s32 $0xFFFF3800  }
0x10c: {  	v0 =	vld [tilespmem:s24+$0xFFFFFD00]  }
0x10d: {  	v1 =	vld [tilespmem:s24+$0xFFFFFD10]  }
0x10e: {  	v2 =	vld [tilespmem:s24+$0xFFFFFCE0]  }
0x10f: {  	v3 =	vld [tilespmem:s24+$0xFFFFFCF0]  }
0x110: {  	v4 =	vld [tilespmem:s24+$0xFFFFFD20]  }
0x111: {  	v5 =	vld [tilespmem:s24+$0xFFFFFD30]  }
0x112: {  	v6 =	vld [tilespmem:s24+$0xFFFFFD40]  }
0x113: {  	v7 =	vld [tilespmem:s24+$0xFFFFFD60];
	v0 =	vadd.f32 v0, v2  }
0x114: {  	v2 =	vld [tilespmem:s24+$0xFFFFFD50]  }
0x115: {  	v59 =	vld [tilespmem:s24+$0xFFFFFD80];
	v1 =	vadd.f32 v1, v3;
	v0 =	vadd.f32 v4, v0  }
0x116: {  	v3 =	vld [tilespmem:s24+$0xFFFFFD70]  }
0x117: {  	v60 =	vld [tilespmem:s24+$0xFFFFFD90];
	v1 =	vadd.f32 v5, v1;
	v0 =	vadd.f32 v6, v0  }
0x118: {  	v61 =	vld [tilespmem:s24+$0xFFFFFDA0]  }
0x119: {  	v62 =	vld [tilespmem:s24+$0xFFFFFDC0];
	v1 =	vadd.f32 v2, v1;
	v0 =	vadd.f32 v7, v0  }
0x11a: {  	v2 =	vld [tilespmem:s24+$0xFFFFFDB0]  }
0x11b: {  	v63 =	vld [tilespmem:s24+$0xFFFFFDE0];
	v1 =	vadd.f32 v3, v1;
	v0 =	vadd.f32 v59, v0  }
0x11c: {  	v3 =	vld [tilespmem:s24+$0xFFFFFDD0]  }
0x11d: {  	v9 =	vld [tilespmem:s24+$0xFFFFFDF0];
	v1 =	vadd.f32 v60, v1;
	v0 =	vadd.f32 v61, v0  }
0x11e: {  	v10 =	vld [tilespmem:s24+$0xFFFFFE00]  }
0x11f: {  	v11 =	vld [tilespmem:s24+$0xFFFFFE20];
	v1 =	vadd.f32 v2, v1;
	v0 =	vadd.f32 v62, v0  }
0x120: {  	v2 =	vld [tilespmem:s24+$0xFFFFFE10]  }
0x121: {  	v12 =	vld [tilespmem:s24+$0xFFFFFE40];
	v1 =	vadd.f32 v3, v1;
	v0 =	vadd.f32 v63, v0  }
0x122: {  	v3 =	vld [tilespmem:s24+$0xFFFFFE30]  }
0x123: {  	v13 =	vld [tilespmem:s24+$0xFFFFFE50];
	v1 =	vadd.f32 v9, v1;
	v0 =	vadd.f32 v10, v0  }
0x124: {  	v14 =	vld [tilespmem:s24+$0xFFFFFE60]  }
0x125: {  	v15 =	vld [tilespmem:s24+$0xFFFFFE80];
	v1 =	vadd.f32 v2, v1;
	v0 =	vadd.f32 v11, v0  }
0x126: {  	v2 =	vld [tilespmem:s24+$0xFFFFFE70]  }
0x127: {  	v16 =	vld [tilespmem:s24+$0xFFFFFEA0];
	v1 =	vadd.f32 v3, v1;
	v0 =	vadd.f32 v12, v0  }
0x128: {  	v3 =	vld [tilespmem:s24+$0xFFFFFE90]  }
0x129: {  	v17 =	vld [tilespmem:s24+$0xFFFFFEB0];
	v1 =	vadd.f32 v13, v1;
	v0 =	vadd.f32 v14, v0  }
0x12a: {  	v18 =	vld [tilespmem:s24+$0xFFFFFEC0]  }
0x12b: {  	v19 =	vld [tilespmem:s24+$0xFFFFFEE0];
	v1 =	vadd.f32 v2, v1;
	v0 =	vadd.f32 v15, v0  }
0x12c: {  	v2 =	vld [tilespmem:s24+$0xFFFFFED0]  }
0x12d: {  	v20 =	vld [tilespmem:s24+$0xFFFFFF00];
	v1 =	vadd.f32 v3, v1;
	v0 =	vadd.f32 v16, v0  }
0x12e: {  	v3 =	vld [tilespmem:s24+$0xFFFFFEF0]  }
0x12f: {  	v21 =	vld [tilespmem:s24+$0xFFFFFF10];
	v1 =	vadd.f32 v17, v1;
	v0 =	vadd.f32 v18, v0  }
0x130: {  	v22 =	vld [tilespmem:s24+$0xFFFFFF20]  }
0x131: {  	v23 =	vld [tilespmem:s24+$0xFFFFFF40];
	v1 =	vadd.f32 v2, v1;
	v0 =	vadd.f32 v19, v0  }
0x132: {  	v2 =	vld [tilespmem:s24+$0xFFFFFF30]  }
0x133: {  	v24 =	vld [tilespmem:s24+$0xFFFFFF60];
	v1 =	vadd.f32 v3, v1;
	v0 =	vadd.f32 v20, v0  }
0x134: {  	v3 =	vld [tilespmem:s24+$0xFFFFFF50]  }
0x135: {  	v25 =	vld [tilespmem:s24+$0xFFFFFF70];
	v1 =	vadd.f32 v21, v1;
	v0 =	vadd.f32 v22, v0  }
0x136: {  	v26 =	vld [tilespmem:s24+$0xFFFFFF80]  }
0x137: {  	v27 =	vld [tilespmem:s24+$0xFFFFFFA0];
	v1 =	vadd.f32 v2, v1;
	v0 =	vadd.f32 v23, v0  }
0x138: {  	v2 =	vld [tilespmem:s24+$0xFFFFFF90]  }
0x139: {  	v28 =	vld [tilespmem:s24+$0xFFFFFFC0];
	v1 =	vadd.f32 v3, v1;
	v0 =	vadd.f32 v24, v0  }
0x13a: {  	v3 =	vld [tilespmem:s24+$0xFFFFFFB0]  }
0x13b: {  	v29 =	vld [tilespmem:s24+$0xFFFFFFD0];
	v1 =	vadd.f32 v25, v1;
	v0 =	vadd.f32 v26, v0  }
0x13c: {  	v30 =	vld [tilespmem:s24+$0xFFFFFFE0]  }
0x13d: {  	v31 =	vld [tilespmem:s24+$0x0];
	v1 =	vadd.f32 v2, v1;
	v0 =	vadd.f32 v27, v0  }
0x13e: {  	v2 =	vld [tilespmem:s24+$0xFFFFFFF0]  }
0x13f: {  	v32 =	vld [tilespmem:s24+$0x20];
	v1 =	vadd.f32 v3, v1;
	v0 =	vadd.f32 v28, v0  }
0x140: {  	v3 =	vld [tilespmem:s24+$0x10]  }
0x141: {  	v33 =	vld [tilespmem:s24+$0x30];
	v1 =	vadd.f32 v29, v1;
	v0 =	vadd.f32 v30, v0  }
0x142: {  	v34 =	vld [tilespmem:s24+$0x40]  }
0x143: {  	v35 =	vld [tilespmem:s24+$0x60];
	v1 =	vadd.f32 v2, v1;
	v0 =	vadd.f32 v31, v0  }
0x144: {  	v2 =	vld [tilespmem:s24+$0x50]  }
0x145: {  	v36 =	vld [tilespmem:s24+$0x80];
	v1 =	vadd.f32 v3, v1;
	v0 =	vadd.f32 v32, v0  }
0x146: {  	v3 =	vld [tilespmem:s24+$0x70]  }
0x147: {  	v37 =	vld [tilespmem:s24+$0x90];
	v1 =	vadd.f32 v33, v1;
	v0 =	vadd.f32 v34, v0  }
0x148: {  	v38 =	vld [tilespmem:s24+$0xA0]  }
0x149: {  	v39 =	vld [tilespmem:s24+$0xC0];
	v1 =	vadd.f32 v2, v1;
	v0 =	vadd.f32 v35, v0  }
0x14a: {  	v2 =	vld [tilespmem:s24+$0xB0]  }
0x14b: {  	v40 =	vld [tilespmem:s24+$0xE0];
	v1 =	vadd.f32 v3, v1;
	v0 =	vadd.f32 v36, v0  }
0x14c: {  	v3 =	vld [tilespmem:s24+$0xD0]  }
0x14d: {  	v41 =	vld [tilespmem:s24+$0xF0];
	v1 =	vadd.f32 v37, v1;
	v0 =	vadd.f32 v38, v0  }
0x14e: {  	v42 =	vld [tilespmem:s24+$0x100]  }
0x14f: {  	v43 =	vld [tilespmem:s24+$0x120];
	v1 =	vadd.f32 v2, v1;
	v0 =	vadd.f32 v39, v0  }
0x150: {  	v2 =	vld [tilespmem:s24+$0x110]  }
0x151: {  	v44 =	vld [tilespmem:s24+$0x140];
	v1 =	vadd.f32 v3, v1;
	v0 =	vadd.f32 v40, v0  }
0x152: {  	v3 =	vld [tilespmem:s24+$0x130]  }
0x153: {  	v45 =	vld [tilespmem:s24+$0x150];
	v1 =	vadd.f32 v41, v1;
	v0 =	vadd.f32 v42, v0  }
0x154: {  	v46 =	vld [tilespmem:s24+$0x160]  }
0x155: {  	v47 =	vld [tilespmem:s24+$0x180];
	v1 =	vadd.f32 v2, v1;
	v0 =	vadd.f32 v43, v0  }
0x156: {  	v2 =	vld [tilespmem:s24+$0x170]  }
0x157: {  	v48 =	vld [tilespmem:s24+$0x1A0];
	v1 =	vadd.f32 v3, v1;
	v0 =	vadd.f32 v44, v0  }
0x158: {  	v3 =	vld [tilespmem:s24+$0x190]  }
0x159: {  	v49 =	vld [tilespmem:s24+$0x1B0];
	v1 =	vadd.f32 v45, v1;
	v0 =	vadd.f32 v46, v0  }
0x15a: {  	v50 =	vld [tilespmem:s24+$0x1C0]  }
0x15b: {  	v51 =	vld [tilespmem:s24+$0x1E0];
	v1 =	vadd.f32 v2, v1;
	v0 =	vadd.f32 v47, v0  }
0x15c: {  	v2 =	vld [tilespmem:s24+$0x1D0]  }
0x15d: {  	v52 =	vld [tilespmem:s24+$0x200];
	v1 =	vadd.f32 v3, v1;
	v0 =	vadd.f32 v48, v0  }
0x15e: {  	v3 =	vld [tilespmem:s24+$0x1F0]  }
0x15f: {  	v53 =	vld [tilespmem:s24+$0x210];
	v1 =	vadd.f32 v49, v1;
	v0 =	vadd.f32 v50, v0  }
0x160: {  	v54 =	vld [tilespmem:s24+$0x220]  }
0x161: {  	v55 =	vld [tilespmem:s24+$0x240];
	v1 =	vadd.f32 v2, v1;
	v0 =	vadd.f32 v51, v0  }
0x162: {  	v2 =	vld [tilespmem:s24+$0x230]  }
0x163: {  	v56 =	vld [tilespmem:s24+$0x260];
	v1 =	vadd.f32 v3, v1;
	v0 =	vadd.f32 v52, v0  }
0x164: {  	v3 =	vld [tilespmem:s24+$0x250]  }
0x165: {  	v57 =	vld [tilespmem:s24+$0x270];
	v1 =	vadd.f32 v53, v1;
	v0 =	vadd.f32 v54, v0  }
0x166: {  	v58 =	vld [tilespmem:s24+$0x280]  }
0x167: {  	v59 =	vld [tilespmem:s24+$0x2A0];
	v1 =	vadd.f32 v2, v1;
	v0 =	vadd.f32 v55, v0  }
0x168: {  	v2 =	vld [tilespmem:s24+$0x290]  }
0x169: {  	v60 =	vld [tilespmem:s24+$0x2C0];
	v1 =	vadd.f32 v3, v1;
	v0 =	vadd.f32 v56, v0  }
0x16a: {  	v3 =	vld [tilespmem:s24+$0x2B0]  }
0x16b: {  	v61 =	vld [tilespmem:s24+$0x2D0];
	v1 =	vadd.f32 v57, v1;
	v0 =	vadd.f32 v58, v0  }
0x16c: {  	v62 =	vld [tilespmem:s24+$0x2E0]  }
0x16d: {  	v63 =	vld [tilespmem:s24+$0x300];
	v1 =	vadd.f32 v2, v1;
	v0 =	vadd.f32 v59, v0  }
0x16e: {  	v2 =	vld [tilespmem:s24+$0x2F0]  }
0x16f: {  	v1 =	vadd.f32 v3, v1;
	v0 =	vadd.f32 v60, v0  }
0x170: {  	v3 =	vld [tilespmem:s24+$0x310]  }
0x171: {  	v1 =	vadd.f32 v61, v1;
	v0 =	vadd.f32 v62, v0;
	_ =	sdelay $0x1  }
0x172: {  	v1 =	vadd.f32 v2, v1;
	v0 =	vadd.f32 v63, v0;
	_ =	sdelay $0x1  }
0x173: {  	v1 =	vadd.f32 v3, v1;
	v2 =	vmul.f32 $1.999999960e-02, v0  }
0x174: {  	s26 =	simm.s32 $0x0  }
0x175: {  	s25 =	simm.s32 $0x80;
	v0 =	vmul.f32 $1.999999960e-02, v1;
	[tilespmem:s26+$0x1A080] =	vst v2  }
.LBB2_5:
0x176: {  	p1 =	sne.s32 s25, $0xF80  }
0x177: {  	[tilespmem:s26+$0x1A090] =	vst v0;
	s24 =	sadd.s32 $0x640, s24;
	s26 =	smov.u32 s25;
	s25 =	sadd.s32 $0x80, s25  }
0x178: {  	v0 =	vld [tilespmem:s24+$0xFFFFFD00]  }
0x179: {  	v1 =	vld [tilespmem:s24+$0xFFFFFD10]  }
0x17a: {  	v2 =	vld [tilespmem:s24+$0xFFFFFCE0]  }
0x17b: {  	v3 =	vld [tilespmem:s24+$0xFFFFFCF0]  }
0x17c: {  	v4 =	vld [tilespmem:s24+$0xFFFFFD20]  }
0x17d: {  	v5 =	vld [tilespmem:s24+$0xFFFFFD30]  }
0x17e: {  	v6 =	vld [tilespmem:s24+$0xFFFFFD40]  }
0x17f: {  	v0 =	vadd.f32 v0, v2;
	v2 =	vld [tilespmem:s24+$0xFFFFFD50]  }
0x180: {  	v1 =	vadd.f32 v1, v3;
	v3 =	vld [tilespmem:s24+$0xFFFFFD60]  }
0x181: {  	v0 =	vadd.f32 v4, v0;
	v4 =	vld [tilespmem:s24+$0xFFFFFD70]  }
0x182: {  	v1 =	vadd.f32 v5, v1;
	v5 =	vld [tilespmem:s24+$0xFFFFFD80]  }
0x183: {  	v0 =	vadd.f32 v6, v0;
	v6 =	vld [tilespmem:s24+$0xFFFFFD90]  }
0x184: {  	v1 =	vadd.f32 v2, v1;
	v2 =	vld [tilespmem:s24+$0xFFFFFDA0]  }
0x185: {  	v0 =	vadd.f32 v3, v0;
	v3 =	vld [tilespmem:s24+$0xFFFFFDB0]  }
0x186: {  	v1 =	vadd.f32 v4, v1;
	v4 =	vld [tilespmem:s24+$0xFFFFFDC0]  }
0x187: {  	v0 =	vadd.f32 v5, v0;
	v5 =	vld [tilespmem:s24+$0xFFFFFDD0]  }
0x188: {  	v1 =	vadd.f32 v6, v1;
	v6 =	vld [tilespmem:s24+$0xFFFFFDE0]  }
0x189: {  	v0 =	vadd.f32 v2, v0;
	v2 =	vld [tilespmem:s24+$0xFFFFFDF0]  }
0x18a: {  	v1 =	vadd.f32 v3, v1;
	v3 =	vld [tilespmem:s24+$0xFFFFFE00]  }
0x18b: {  	v0 =	vadd.f32 v4, v0;
	v4 =	vld [tilespmem:s24+$0xFFFFFE10]  }
0x18c: {  	v1 =	vadd.f32 v5, v1;
	v5 =	vld [tilespmem:s24+$0xFFFFFE20]  }
0x18d: {  	v0 =	vadd.f32 v6, v0;
	v6 =	vld [tilespmem:s24+$0xFFFFFE30]  }
0x18e: {  	v1 =	vadd.f32 v2, v1;
	v2 =	vld [tilespmem:s24+$0xFFFFFE40]  }
0x18f: {  	v0 =	vadd.f32 v3, v0;
	v3 =	vld [tilespmem:s24+$0xFFFFFE50]  }
0x190: {  	v1 =	vadd.f32 v4, v1;
	v4 =	vld [tilespmem:s24+$0xFFFFFE60]  }
0x191: {  	v0 =	vadd.f32 v5, v0;
	v5 =	vld [tilespmem:s24+$0xFFFFFE70]  }
0x192: {  	v1 =	vadd.f32 v6, v1;
	v6 =	vld [tilespmem:s24+$0xFFFFFE80]  }
0x193: {  	v0 =	vadd.f32 v2, v0;
	v2 =	vld [tilespmem:s24+$0xFFFFFE90]  }
0x194: {  	v1 =	vadd.f32 v3, v1;
	v3 =	vld [tilespmem:s24+$0xFFFFFEA0]  }
0x195: {  	v0 =	vadd.f32 v4, v0;
	v4 =	vld [tilespmem:s24+$0xFFFFFEB0]  }
0x196: {  	v1 =	vadd.f32 v5, v1;
	v5 =	vld [tilespmem:s24+$0xFFFFFEC0]  }
0x197: {  	v0 =	vadd.f32 v6, v0;
	v6 =	vld [tilespmem:s24+$0xFFFFFED0]  }
0x198: {  	v1 =	vadd.f32 v2, v1;
	v2 =	vld [tilespmem:s24+$0xFFFFFEE0]  }
0x199: {  	v0 =	vadd.f32 v3, v0;
	v3 =	vld [tilespmem:s24+$0xFFFFFEF0]  }
0x19a: {  	v1 =	vadd.f32 v4, v1;
	v4 =	vld [tilespmem:s24+$0xFFFFFF00]  }
0x19b: {  	v0 =	vadd.f32 v5, v0;
	v5 =	vld [tilespmem:s24+$0xFFFFFF10]  }
0x19c: {  	v1 =	vadd.f32 v6, v1;
	v6 =	vld [tilespmem:s24+$0xFFFFFF20]  }
0x19d: {  	v0 =	vadd.f32 v2, v0;
	v2 =	vld [tilespmem:s24+$0xFFFFFF30]  }
0x19e: {  	v1 =	vadd.f32 v3, v1;
	v3 =	vld [tilespmem:s24+$0xFFFFFF40]  }
0x19f: {  	v0 =	vadd.f32 v4, v0;
	v4 =	vld [tilespmem:s24+$0xFFFFFF50]  }
0x1a0: {  	v1 =	vadd.f32 v5, v1;
	v5 =	vld [tilespmem:s24+$0xFFFFFF60]  }
0x1a1: {  	v0 =	vadd.f32 v6, v0;
	v6 =	vld [tilespmem:s24+$0xFFFFFF70]  }
0x1a2: {  	v1 =	vadd.f32 v2, v1;
	v2 =	vld [tilespmem:s24+$0xFFFFFF80]  }
0x1a3: {  	v0 =	vadd.f32 v3, v0;
	v3 =	vld [tilespmem:s24+$0xFFFFFF90]  }
0x1a4: {  	v1 =	vadd.f32 v4, v1;
	v4 =	vld [tilespmem:s24+$0xFFFFFFA0]  }
0x1a5: {  	v0 =	vadd.f32 v5, v0;
	v5 =	vld [tilespmem:s24+$0xFFFFFFB0]  }
0x1a6: {  	v1 =	vadd.f32 v6, v1;
	v6 =	vld [tilespmem:s24+$0xFFFFFFC0]  }
0x1a7: {  	v0 =	vadd.f32 v2, v0;
	v2 =	vld [tilespmem:s24+$0xFFFFFFD0]  }
0x1a8: {  	v1 =	vadd.f32 v3, v1;
	v3 =	vld [tilespmem:s24+$0xFFFFFFE0]  }
0x1a9: {  	v0 =	vadd.f32 v4, v0;
	v4 =	vld [tilespmem:s24+$0xFFFFFFF0]  }
0x1aa: {  	v1 =	vadd.f32 v5, v1;
	v5 =	vld [tilespmem:s24+$0x0]  }
0x1ab: {  	v0 =	vadd.f32 v6, v0;
	v6 =	vld [tilespmem:s24+$0x10]  }
0x1ac: {  	v1 =	vadd.f32 v2, v1;
	v2 =	vld [tilespmem:s24+$0x20]  }
0x1ad: {  	v0 =	vadd.f32 v3, v0;
	v3 =	vld [tilespmem:s24+$0x30]  }
0x1ae: {  	v1 =	vadd.f32 v4, v1;
	v4 =	vld [tilespmem:s24+$0x40]  }
0x1af: {  	v0 =	vadd.f32 v5, v0;
	v5 =	vld [tilespmem:s24+$0x50]  }
0x1b0: {  	v1 =	vadd.f32 v6, v1;
	v6 =	vld [tilespmem:s24+$0x60]  }
0x1b1: {  	v0 =	vadd.f32 v2, v0;
	v2 =	vld [tilespmem:s24+$0x70]  }
0x1b2: {  	v1 =	vadd.f32 v3, v1;
	v3 =	vld [tilespmem:s24+$0x80]  }
0x1b3: {  	v0 =	vadd.f32 v4, v0;
	v4 =	vld [tilespmem:s24+$0x90]  }
0x1b4: {  	v1 =	vadd.f32 v5, v1;
	v5 =	vld [tilespmem:s24+$0xA0]  }
0x1b5: {  	v0 =	vadd.f32 v6, v0;
	v6 =	vld [tilespmem:s24+$0xB0]  }
0x1b6: {  	v1 =	vadd.f32 v2, v1;
	v2 =	vld [tilespmem:s24+$0xC0]  }
0x1b7: {  	v0 =	vadd.f32 v3, v0;
	v3 =	vld [tilespmem:s24+$0xD0]  }
0x1b8: {  	v1 =	vadd.f32 v4, v1;
	v4 =	vld [tilespmem:s24+$0xE0]  }
0x1b9: {  	v0 =	vadd.f32 v5, v0;
	v5 =	vld [tilespmem:s24+$0xF0]  }
0x1ba: {  	v1 =	vadd.f32 v6, v1;
	v6 =	vld [tilespmem:s24+$0x100]  }
0x1bb: {  	v0 =	vadd.f32 v2, v0;
	v2 =	vld [tilespmem:s24+$0x110]  }
0x1bc: {  	v1 =	vadd.f32 v3, v1;
	v3 =	vld [tilespmem:s24+$0x120]  }
0x1bd: {  	v0 =	vadd.f32 v4, v0;
	v4 =	vld [tilespmem:s24+$0x130]  }
0x1be: {  	v1 =	vadd.f32 v5, v1;
	v5 =	vld [tilespmem:s24+$0x140]  }
0x1bf: {  	v0 =	vadd.f32 v6, v0;
	v6 =	vld [tilespmem:s24+$0x150]  }
0x1c0: {  	v1 =	vadd.f32 v2, v1;
	v2 =	vld [tilespmem:s24+$0x160]  }
0x1c1: {  	v0 =	vadd.f32 v3, v0;
	v3 =	vld [tilespmem:s24+$0x170]  }
0x1c2: {  	v1 =	vadd.f32 v4, v1;
	v4 =	vld [tilespmem:s24+$0x180]  }
0x1c3: {  	v0 =	vadd.f32 v5, v0;
	v5 =	vld [tilespmem:s24+$0x190]  }
0x1c4: {  	v1 =	vadd.f32 v6, v1;
	v6 =	vld [tilespmem:s24+$0x1A0]  }
0x1c5: {  	v0 =	vadd.f32 v2, v0;
	v2 =	vld [tilespmem:s24+$0x1B0]  }
0x1c6: {  	v1 =	vadd.f32 v3, v1;
	v3 =	vld [tilespmem:s24+$0x1C0]  }
0x1c7: {  	v0 =	vadd.f32 v4, v0;
	v4 =	vld [tilespmem:s24+$0x1D0]  }
0x1c8: {  	v1 =	vadd.f32 v5, v1;
	v5 =	vld [tilespmem:s24+$0x1E0]  }
0x1c9: {  	v0 =	vadd.f32 v6, v0;
	v6 =	vld [tilespmem:s24+$0x1F0]  }
0x1ca: {  	v1 =	vadd.f32 v2, v1;
	v2 =	vld [tilespmem:s24+$0x200]  }
0x1cb: {  	v0 =	vadd.f32 v3, v0;
	v3 =	vld [tilespmem:s24+$0x210]  }
0x1cc: {  	v1 =	vadd.f32 v4, v1;
	v4 =	vld [tilespmem:s24+$0x220]  }
0x1cd: {  	v0 =	vadd.f32 v5, v0;
	v5 =	vld [tilespmem:s24+$0x230]  }
0x1ce: {  	v1 =	vadd.f32 v6, v1;
	v6 =	vld [tilespmem:s24+$0x240]  }
0x1cf: {  	v0 =	vadd.f32 v2, v0;
	v2 =	vld [tilespmem:s24+$0x250]  }
0x1d0: {  	v1 =	vadd.f32 v3, v1;
	v3 =	vld [tilespmem:s24+$0x260]  }
0x1d1: {  	v0 =	vadd.f32 v4, v0;
	v4 =	vld [tilespmem:s24+$0x270]  }
0x1d2: {  	v1 =	vadd.f32 v5, v1;
	v5 =	vld [tilespmem:s24+$0x280]  }
0x1d3: {  	v0 =	vadd.f32 v6, v0;
	v6 =	vld [tilespmem:s24+$0x290]  }
0x1d4: {  	v1 =	vadd.f32 v2, v1;
	v2 =	vld [tilespmem:s24+$0x2A0]  }
0x1d5: {  	v0 =	vadd.f32 v3, v0;
	v3 =	vld [tilespmem:s24+$0x2B0]  }
0x1d6: {  	v1 =	vadd.f32 v4, v1;
	v4 =	vld [tilespmem:s24+$0x2C0]  }
0x1d7: {  	v0 =	vadd.f32 v5, v0;
	v5 =	vld [tilespmem:s24+$0x2D0]  }
0x1d8: {  	v1 =	vadd.f32 v6, v1;
	v6 =	vld [tilespmem:s24+$0x2E0]  }
0x1d9: {  	v0 =	vadd.f32 v2, v0;
	v2 =	vld [tilespmem:s24+$0x2F0]  }
0x1da: {  	v1 =	vadd.f32 v3, v1;
	v3 =	vld [tilespmem:s24+$0x300]  }
0x1db: {  	v0 =	vadd.f32 v4, v0;
	v4 =	vld [tilespmem:s24+$0x310]  }
0x1dc: {  	v1 =	vadd.f32 v5, v1  }
0x1dd: {  	v0 =	vadd.f32 v6, v0  }
0x1de: {  	v1 =	vadd.f32 v2, v1  }
.Ltmp3:
0x1df: {  	v0 =	vadd.f32 v3, v0;
	(pc) =	sbr.rel @p1 .LBB2_5-.Ltmp3, $4  }
0x1e0: {  	v1 =	vadd.f32 v4, v1  }
0x1e1: {  	v2 =	vmul.f32 $1.999999960e-02, v0  }
0x1e2: {  	s26 =	sshra.s32 s26, $0x2;
	v0 =	vmul.f32 $1.999999960e-02, v1  }
0x1e3: {  	[tilespmem:s26+$0x1A080] =	vst v2  }
0x1e4: {  	s24 =	sadd.s32 s23, s7  }
0x1e5: {  	s24 =	sshll.u32 s24, $0x2  }
0x1e6: {  	s24 =	sadd.s32 $0x80, s24  }
0x1e7: {  	s24 =	sand.u32 $0x1FFFFF80, s24  }
.Ltmp4:
0x1e8: {  	[tilespmem:s26+$0x1A090] =	vst v0;
	s24 =	sadd.s32 s2, s24;
	(pc) =	sbr.rel @p0 .LBB2_8-.Ltmp4, $4  }
0x1e9: {  	[hbm4b:s24+s3] =	stream.linear.scatter [tilespmem:s20], [sflag:$0x3], $0x400, $0x38;
	[tilespmem:$0x1A480] =	vst v63  }
0x1ea: {  	_ =	swait.ge [sflag:s13], $0x400  }
0x1eb: {  	[sflag:s13] =	ssyncset.done $0x0  }
0x1ec: {  	[sflag:s13] =	ssyncadd.s32 $0xFFFFFC00  }
0x1ed: {  	s23 =	sadd.s32 s23, s11  }
0x1ee: {  	s23 =	smul.u32 $0x32, s23;
	_ =	sdelay $0x1  }
0x1ef: {  	s23 =	sshrl.u32 s23, $0x3  }
0x1f0: {  	s23 =	sadd.s32 s4, s23  }
0x1f1: {  	[tilespmem:s14], [sflag:$0x3] =	stream.linear.gather [hbm4b:s23+s3], $0x640, $0x38;
	[tilespmem:$0x1A480] =	vst v63  }
.Ltmp5:
0x1f2: {  	_ = 	snop;
	(pc) =	sbr.rel .LBB2_2-.Ltmp5, $4  }
0x1f3: {  	_ =	swait.ge [sflag:s13], $0x640  }
0x1f4: {  	[sflag:s13] =	ssyncset.done $0x0  }
0x1f5: {  	s22 =	sadd.s32 $0x1, s22;
	[sflag:s13] =	ssyncadd.s32 $0xFFFFF9C0  }
0x1f6: {  	[tilespmem:s16], [sflag:$0x2] =	stream.indirect.gather [hbm4b:s5+s14], $0x20, s14, s14, $0xb8;
	[tilespmem:$0x1A480] =	vst v63  }
.LBB2_9:
0x1f7: {  	_ =	sfence.sel $0x180000  }
0x1f8: {  	[bflag:$0x0] =	sbarrier.arrive $0xFFFF  }
0x1f9: {  	p0 =	sne.s32 s1, $0x0;
	_ =	strace $0x90000047  }
0x1fa: {  	s0 =	sadd.s32 @!p0 $0x100000, s0;
	[bflag:$0x2] =	sbarrier.arrive $0xFFFF  }
0x1fb: {  	[sflag:s0] =	ssyncadd.tile.s32 @!p0 $0x1;
	_ =	shalt  }
.Lfunc_end2:
_tile_overlayer_lowered:
.L_overlay_start_2:
0x1fc: {  	(tag) =	ssettag $0x2  }
0x1fd: {  	s0 =	rddreg [dreg:$0x0];
	s2 =	stileid.u32  }
0x1fe: {  	s1 =	rddreg [dreg:$0x1];
	p0 =	sne.s32 s2, $0x0  }
0x1ff: {  	s3 =	rddreg [dreg:$0x2];
	[bflag:$0x3] =	sbarrier.arrive $0xFFFF;
	s2 =	simm.s32 @!p0 $0x1C03  }
0x200: {  	[timem:s3], [sflag:s2] =	dma.local @!p0 [hbm:s0], s1  }
0x201: {  	s0 =	simm.s32 @!p0 $0x3  }
0x202: {  	_ =	swait.ge @!p0 [sflag:s0], s1  }
0x203: {  	s1 =	ssub.s32 @!p0 $0x0, s1;
	[sflag:s0] =	ssyncset.done @!p0 $0x0  }
0x204: {  	[sflag:s0] =	ssyncadd.s32 @!p0 s1  }
0x205: {  	[bflag:$0x3] =	sbarrier.arrive $0xFFFF  }
0x206: {  	_ =	shalt  }

</sc_bundles>
